<compile_context>
chip_gen: v7x
topology: tpu7x:2x2x1
jax: 0.10.2.dev20260603
libtpu: 0.0.44.dev20260713+nightly
codegen_flags: <defaults>
</compile_context>

<pallas_src>
import functools

import jax
import jax.numpy as jnp
from jax import lax
from jax.experimental import pallas as pl
from jax.experimental.pallas import tpu as pltpu
from jax.experimental.pallas import tpu_sc as plsc

NCORES = 2
NSUB = 16
LANES = 16
CHUNK = 128
KB = 4


def _cdiv(a, b):
    return (a + b - 1) // b



def _proj_body(x_ref, w_ref, b_ref, s_ref, m_ref, *, h):
    hx = jnp.dot(x_ref[...], w_ref[...], preferred_element_type=jnp.float32)
    hx = jnp.maximum(hx + b_ref[...], 0.0)
    s_ref[...] = hx[:, :h]
    m_ref[...] = hx[:, h:]


def _project(x, w2t, b2, h, block_rows):
    n = x.shape[0]
    d = x.shape[1]
    grid = (n // block_rows,)
    return pl.pallas_call(
        functools.partial(_proj_body, h=h),
        grid=grid,
        in_specs=[
            pl.BlockSpec((block_rows, d), lambda i: (i, 0)),
            pl.BlockSpec((d, 2 * h), lambda i: (0, 0)),
            pl.BlockSpec((1, 2 * h), lambda i: (0, 0)),
        ],
        out_specs=[
            pl.BlockSpec((block_rows, h), lambda i: (i, 0)),
            pl.BlockSpec((block_rows, h), lambda i: (i, 0)),
        ],
        out_shape=[
            jax.ShapeDtypeStruct((n, h), jnp.float32),
            jax.ShapeDtypeStruct((n, h), jnp.float32),
        ],
    )(x, w2t, b2)


def _final_body(a0_ref, a1_ref, s_ref, w_ref, b_ref, o_ref):
    s = a0_ref[0] + a1_ref[0] + s_ref[...]
    o_ref[...] = (
        jnp.dot(s, w_ref[...], preferred_element_type=jnp.float32) + b_ref[...]
    )


def _final(parts, self_x, wpt, bp2, block_rows):
    n, h = self_x.shape
    d_out = wpt.shape[1]
    grid = (n // block_rows,)
    return pl.pallas_call(
        _final_body,
        grid=grid,
        in_specs=[
            pl.BlockSpec((1, block_rows, h), lambda i: (0, i, 0)),
            pl.BlockSpec((1, block_rows, h), lambda i: (1, i, 0)),
            pl.BlockSpec((block_rows, h), lambda i: (i, 0)),
            pl.BlockSpec((h, d_out), lambda i: (0, 0)),
            pl.BlockSpec((1, d_out), lambda i: (0, 0)),
        ],
        out_specs=pl.BlockSpec((block_rows, d_out), lambda i: (i, 0)),
        out_shape=jax.ShapeDtypeStruct((n, d_out), jnp.float32),
    )(parts, parts, self_x, wpt, bp2)



def _make_sc_agg(n_pad, h, nb, zr):
    rpt = n_pad // NSUB
    mesh = plsc.VectorSubcoreMesh(
        core_axis_name="c", subcore_axis_name="s",
        num_cores=NCORES, num_subcores=NSUB,
    )

    @functools.partial(
        pl.kernel,
        out_type=jax.ShapeDtypeStruct((NCORES, n_pad, h), jnp.float32),
        mesh=mesh,
        scratch_types=[
            pltpu.VMEM_SHARED((n_pad, h), jnp.float32),
            pltpu.VMEM((KB, CHUNK), jnp.int32),
            pltpu.VMEM((KB, CHUNK), jnp.int32),
            pltpu.VMEM((KB, CHUNK), jnp.int32),
            pltpu.VMEM((KB, CHUNK), jnp.int32),
            pltpu.VMEM((KB, CHUNK, h), jnp.float32),
            pltpu.VMEM((KB, CHUNK, h), jnp.float32),
            pltpu.VMEM((zr, h), jnp.float32),
            pltpu.SemaphoreType.DMA,
            pltpu.SemaphoreType.DMA,
            pltpu.SemaphoreType.DMA,
        ],
        compiler_params=pltpu.CompilerParams(use_tc_tiling_on_sc=False),
    )
    def sc_agg(msg, s2d, d2d, out, agg, sA, dA, sB, dB, rA, rB, zbuf,
               semI, semG, semS):
        cid = lax.axis_index("c")
        sid = lax.axis_index("s")
        wid = cid * NSUB + sid
        cbase = wid * (nb * KB)

        def zb(i, _):
            zbuf[i, :] = jnp.zeros((LANES,), jnp.float32)
            return 0

        lax.fori_loop(0, zr, zb, 0)
        for j in range(rpt // zr):
            pltpu.sync_copy(zbuf, agg.at[pl.ds(sid * rpt + j * zr, zr)])
        plsc.subcore_barrier()

        def idx_start(sbuf, dbuf, b):
            row0 = cbase + b * KB
            pltpu.async_copy(s2d.at[pl.ds(row0, KB)], sbuf, semI)
            pltpu.async_copy(d2d.at[pl.ds(row0, KB)], dbuf, semI)

        def idx_drain(sbuf, dbuf):
            pltpu.make_async_copy(s2d.at[pl.ds(0, KB)], sbuf, semI).wait()
            pltpu.make_async_copy(d2d.at[pl.ds(0, KB)], dbuf, semI).wait()

        def gather_start(sbuf, rbuf):
            for j in range(KB):
                pltpu.async_copy(msg.at[sbuf.at[j]], rbuf.at[j], semG)

        def gather_drain(sbuf, rbuf):
            for j in range(KB):
                pltpu.make_async_copy(
                    msg.at[sbuf.at[j]], rbuf.at[j], semG).wait()

        def scat_start(dbuf, rbuf):
            for j in range(KB):
                pltpu.async_copy(rbuf.at[j], agg.at[dbuf.at[j]], semS,
                                 add=True)

        def scat_drain(dbuf, rbuf):
            for j in range(KB):
                pltpu.make_async_copy(
                    rbuf.at[j], agg.at[dbuf.at[j]], semS).wait()

        pltpu.sync_copy(s2d.at[pl.ds(cbase, KB)], sA)
        pltpu.sync_copy(d2d.at[pl.ds(cbase, KB)], dA)
        gather_start(sA, rA)
        idx_start(sB, dB, 1)

        def pipe_step(b, sbuf, dbuf, rbuf, so, do_, ro):
            gather_drain(sbuf, rbuf)

            @pl.when(b + 1 < nb)
            def _():
                idx_drain(so, do_)
                gather_start(so, ro)

            scat_start(dbuf, rbuf)
            scat_drain(dbuf, rbuf)

            @pl.when(b + 2 < nb)
            def _():
                idx_start(sbuf, dbuf, b + 2)

        def body(b, _):
            @pl.when(lax.rem(b, 2) == 0)
            def _():
                pipe_step(b, sA, dA, rA, sB, dB, rB)

            @pl.when(lax.rem(b, 2) == 1)
            def _():
                pipe_step(b, sB, dB, rB, sA, dA, rA)

            return 0

        lax.fori_loop(0, nb, body, 0)
        plsc.subcore_barrier()

        pltpu.sync_copy(
            agg.at[pl.ds(sid * rpt, rpt)],
            out.at[cid, pl.ds(sid * rpt, rpt)],
        )

    return sc_agg



def kernel(x, c, edge_index_xx, edge_index_cx, Wx, bx, Wc, bc, Wp, bp):
    n, d_in = x.shape
    nc = c.shape[0]
    h = Wp.shape[1]
    d_out = Wp.shape[0]

    wx2t = Wx[: 2 * h].T
    bx2 = bx[: 2 * h].reshape(1, -1)
    wc2t = Wc[: 2 * h].T
    bc2 = bc[: 2 * h].reshape(1, -1)
    self_x, msg_x = _project(x, wx2t, bx2, h, block_rows=1000)
    c_out, msg_c = _project(c, wc2t, bc2, h, block_rows=nc)

    msg = jnp.concatenate([msg_x, msg_c], axis=0)
    e_tot = edge_index_xx.shape[1] + edge_index_cx.shape[1]
    n_pad = _cdiv(n + 64, NSUB * 8) * (NSUB * 8)
    nb = _cdiv(e_tot, NCORES * NSUB * CHUNK * KB)
    e_pad = nb * KB * CHUNK * NCORES * NSUB
    pad = e_pad - e_tot
    src = jnp.concatenate([
        jnp.asarray(edge_index_xx[0], jnp.int32),
        jnp.asarray(edge_index_cx[0], jnp.int32) + n,
        jnp.zeros((pad,), jnp.int32),
    ]).reshape(-1, CHUNK)
    dst = jnp.concatenate([
        jnp.asarray(edge_index_xx[1], jnp.int32),
        jnp.asarray(edge_index_cx[1], jnp.int32),
        n + (jnp.arange(pad, dtype=jnp.int32) % 64),
    ]).reshape(-1, CHUNK)

    rpt = n_pad // NSUB
    zr = next(d for d in range(512, 0, -1) if rpt % d == 0)
    sc_agg = _make_sc_agg(n_pad, h, nb, zr)
    parts = sc_agg(msg, src, dst)

    x_out = _final(parts, self_x, Wp.T, bp.reshape(1, -1), block_rows=1000)
    return (x_out, c_out)

# --- scband reference (transcript-rebuilt; emitter-appended) ---
"""Pipeline reference for scband-fast-cond-gcn-13804024889950 (READ-ONLY COPY).

The authoritative reference and input builder live on the scoring server;
editing this copy changes nothing except your own understanding.
"""

import jax, jax.numpy as jnp
import numpy as np

N = 100000      # number of 'x' nodes
NC = 10000      # number of 'c' (context) nodes
E_XX = 3200000  # x->x edges
E_CX = 400000   # c->x edges
D_IN = 128
D_CTX = 16
H = 16          # hidden_features
D_OUT = 128


def setup_inputs(seed: int = 0) -> dict:
    key = jax.random.key(seed)
    ks = jax.random.split(key, 12)
    x = jax.random.normal(ks[0], (N, D_IN), dtype=jnp.float32)
    c = jax.random.normal(ks[1], (NC, D_CTX), dtype=jnp.float32)
    edge_index_xx = jax.random.randint(ks[2], (2, E_XX), 0, N)
    edge_index_cx = jax.random.randint(ks[3], (2, E_CX), 0, NC)
    # parameters (nn.Linear style: y = x @ W.T + b)
    Wx = jax.random.normal(ks[4], (3 * H, D_IN), dtype=jnp.float32) / np.sqrt(D_IN)
    bx = jnp.zeros((3 * H,), dtype=jnp.float32)
    Wc = jax.random.normal(ks[5], (2 * H, D_CTX), dtype=jnp.float32) / np.sqrt(D_CTX)
    bc = jnp.zeros((2 * H,), dtype=jnp.float32)
    Wp = jax.random.normal(ks[6], (D_OUT, H), dtype=jnp.float32) / np.sqrt(H)
    bp = jnp.zeros((D_OUT,), dtype=jnp.float32)
    return {
        'x': x, 'c': c,
        'edge_index_xx': edge_index_xx, 'edge_index_cx': edge_index_cx,
        'Wx': Wx, 'bx': bx, 'Wc': Wc, 'bc': bc, 'Wp': Wp, 'bp': bp,
    }


def reference(x, c, edge_index_xx, edge_index_cx, Wx, bx, Wc, bc, Wp, bp):
    # joint_layers['x'] -> hidden*3 slices: [self | x->x | x<-x]
    hx = jax.nn.relu(x @ Wx.T + bx)            # [N, 3H]
    # joint_layers['c'] -> hidden*2 slices: [self | c->x]
    hc = jax.nn.relu(c @ Wc.T + bc)            # [NC, 2H]
    self_x = hx[:, :H]                          # self-loop features
    c_out = hc[:, :H]                           # x_dict['c'] output
    # message for relation ('x','->','x'): idx=1 -> slice hx[:, H:2H], gather at src
    src_xx = edge_index_xx[0]
    dst_xx = edge_index_xx[1]
    msg_xx = jnp.take(hx[:, H:2 * H], src_xx, axis=0)   # [E_XX, H]
    # message for relation ('c','->','x'): idx=1 in c list -> slice hc[:, H:2H]
    src_cx = edge_index_cx[0]
    dst_cx = edge_index_cx[1]
    msg_cx = jnp.take(hc[:, H:2 * H], src_cx, axis=0)   # [E_CX, H]
    # aggregate: coalesce with op='add' == scatter-add over dst, plus self loops
    agg = jnp.zeros((N, H), dtype=hx.dtype)
    agg = agg.at[dst_xx].add(msg_xx)
    agg = agg.at[dst_cx].add(msg_cx)
    agg = agg + self_x
    x_out = agg @ Wp.T + bp                     # pool linear -> [N, D_OUT]
    return (x_out, c_out)

if __name__ == "__main__":
    import jax
    _d = setup_inputs()
    print(jax.jit(kernel)(*tuple(_d.values())))

</pallas_src>

<mosaic_0001>
#map = affine_map<(d0, d1) -> (0, 0)>
#map1 = affine_map<(d0, d1) -> (0, 0, 0)>
module attributes {stable_mosaic.version = 14 : i64} {
  func.func @sc_agg(%arg0: i32, %arg1: i32, %arg2: memref<110000x16xf32, #tpu.memory_space<hbm>>, %arg3: memref<28160x128xi32, #tpu.memory_space<hbm>>, %arg4: memref<28160x128xi32, #tpu.memory_space<hbm>>, %arg5: memref<2x100096x16xf32, #tpu.memory_space<hbm>>, %arg6: memref<100096x16xf32, #tpu.memory_space<vmem_shared>>, %arg7: memref<4x128xi32, #tpu.memory_space<vmem>>, %arg8: memref<4x128xi32, #tpu.memory_space<vmem>>, %arg9: memref<4x128xi32, #tpu.memory_space<vmem>>, %arg10: memref<4x128xi32, #tpu.memory_space<vmem>>, %arg11: memref<4x128x16xf32, #tpu.memory_space<vmem>>, %arg12: memref<4x128x16xf32, #tpu.memory_space<vmem>>, %arg13: memref<391x16xf32, #tpu.memory_space<vmem>>, %arg14: memref<!tpu.dma_semaphore, #tpu.memory_space<semaphore_mem>>, %arg15: memref<!tpu.dma_semaphore, #tpu.memory_space<semaphore_mem>>, %arg16: memref<!tpu.dma_semaphore, #tpu.memory_space<semaphore_mem>>) attributes {dimension_semantics = [#tpu.dimension_semantics<core_parallel>, #tpu.dimension_semantics<subcore_parallel>], iteration_bounds = array<i64: 2, 16>, scalar_prefetch = 0 : i64, scratch_operands = 11 : i64, tpu.core_type = #tpu.core_type<sc_vector_subcore>, window_params = [{transform_indices = #map}, {transform_indices = #map}, {transform_indices = #map}, {transform_indices = #map1}]} {
    %mul3A = arith.constant 16 : i32
    %mul3A_0 = arith.muli %arg0, %mul3A : i32
    %add3A = arith.addi %mul3A_0, %arg1 : i32
    %mul3A_1 = arith.constant 880 : i32
    %mul3A_2 = arith.muli %add3A, %mul3A_1 : i32
    %scan3A = arith.constant 0 : i32
    %scan3A_3 = arith.constant 0 : i32
    %scan3A_4 = arith.constant 391 : i32
    %scan3A_5 = arith.addi %scan3A_3, %scan3A_4 : i32
    %scan3A_6 = arith.constant 1 : i32
    %scan3A_7 = scf.for %scan3A_142 = %scan3A_3 to %scan3A_5 step %scan3A_6 iter_args(%scan3A_143 = %scan3A) -> (i32)  : i32 {
      %broadcast_in_dim3A = arith.constant 0.000000e+00 : f32
      %broadcast_in_dim3A_144 = vector.broadcast %broadcast_in_dim3A : f32 to vector<16xf32>
      %swap3A = arith.index_cast %scan3A_142 : i32 to index
      %swap3A_145 = arith.constant 0 : index
      %swap3A_146 = tpu.vector_load %arg13[%swap3A, %swap3A_145] {strides = array<i32>} : memref<391x16xf32, #tpu.memory_space<vmem>>, vector<1x16xf32>,
      %swap3A_147 = vector.shape_cast %swap3A_146 : vector<1x16xf32> to vector<16xf32>
      %swap3A_148 = vector.shape_cast %broadcast_in_dim3A_144 : vector<16xf32> to vector<1x16xf32>
      tpu.vector_store %arg13[%swap3A, %swap3A_145], %swap3A_148 {strides = array<i32>} : memref<391x16xf32, #tpu.memory_space<vmem>>, vector<1x16xf32>,
      %scan3A_149 = arith.constant 0 : i32
      scf.yield %scan3A_149 : i32
    }
    %scan3A_8 = arith.constant 391 : i32
    %mul3A_9 = arith.constant 6256 : i32
    %mul3A_10 = arith.muli %arg1, %mul3A_9 : i32
    %add3A_11 = arith.constant 0 : i32
    %add3A_12 = arith.addi %mul3A_10, %add3A_11 : i32
    "tpu.region"() ({
      %run_scoped3A = tpu.sem_alloc : memref<!tpu.dma_semaphore, #tpu.memory_space<semaphore_mem>>
      %dma_start3A_142 = arith.constant 0 : i32
      %dma_start3A_143 = tpu.memref_slice %arg6[%add3A_12, %dma_start3A_142] : memref<100096x16xf32, #tpu.memory_space<vmem_shared>> -> memref<391x16xf32, #tpu.memory_space<vmem_shared>>
      %dma_start3A_144 = arith.constant 0 : i32
      %dma_start3A_145 = tpu.memref_slice %arg6[%add3A_12, %dma_start3A_144] : memref<100096x16xf32, #tpu.memory_space<vmem_shared>> -> memref<391x16xf32, #tpu.memory_space<vmem_shared>>
      tpu.enqueue_dma source(%arg13 : memref<391x16xf32, #tpu.memory_space<vmem>>) target(%dma_start3A_145 : memref<391x16xf32, #tpu.memory_space<vmem_shared>>) target_semaphore(%run_scoped3A : memref<!tpu.dma_semaphore, #tpu.memory_space<semaphore_mem>>)
      %dma_wait3A = arith.constant 0 : i32
      %dma_wait3A_146 = tpu.memref_slice %arg6[%add3A_12, %dma_wait3A] : memref<100096x16xf32, #tpu.memory_space<vmem_shared>> -> memref<391x16xf32, #tpu.memory_space<vmem_shared>>
      %dma_wait3A_147 = arith.constant 0 : i32
      %dma_wait3A_148 = tpu.memref_slice %arg6[%add3A_12, %dma_wait3A_147] : memref<100096x16xf32, #tpu.memory_space<vmem_shared>> -> memref<391x16xf32, #tpu.memory_space<vmem_shared>>
      tpu.wait_dma2 semaphore(%run_scoped3A : memref<!tpu.dma_semaphore, #tpu.memory_space<semaphore_mem>>) src(%arg13 : memref<391x16xf32, #tpu.memory_space<vmem>>) dst(%dma_wait3A_148 : memref<391x16xf32, #tpu.memory_space<vmem_shared>>)
      tpu.yield
    }) : () -> ()
    %mul3A_13 = arith.constant 6256 : i32
    %mul3A_14 = arith.muli %arg1, %mul3A_13 : i32
    %add3A_15 = arith.constant 391 : i32
    %add3A_16 = arith.addi %mul3A_14, %add3A_15 : i32
    "tpu.region"() ({
      %run_scoped3A = tpu.sem_alloc : memref<!tpu.dma_semaphore, #tpu.memory_space<semaphore_mem>>
      %dma_start3A_142 = arith.constant 0 : i32
      %dma_start3A_143 = tpu.memref_slice %arg6[%add3A_16, %dma_start3A_142] : memref<100096x16xf32, #tpu.memory_space<vmem_shared>> -> memref<391x16xf32, #tpu.memory_space<vmem_shared>>
      %dma_start3A_144 = arith.constant 0 : i32
      %dma_start3A_145 = tpu.memref_slice %arg6[%add3A_16, %dma_start3A_144] : memref<100096x16xf32, #tpu.memory_space<vmem_shared>> -> memref<391x16xf32, #tpu.memory_space<vmem_shared>>
      tpu.enqueue_dma source(%arg13 : memref<391x16xf32, #tpu.memory_space<vmem>>) target(%dma_start3A_145 : memref<391x16xf32, #tpu.memory_space<vmem_shared>>) target_semaphore(%run_scoped3A : memref<!tpu.dma_semaphore, #tpu.memory_space<semaphore_mem>>)
      %dma_wait3A = arith.constant 0 : i32
      %dma_wait3A_146 = tpu.memref_slice %arg6[%add3A_16, %dma_wait3A] : memref<100096x16xf32, #tpu.memory_space<vmem_shared>> -> memref<391x16xf32, #tpu.memory_space<vmem_shared>>
      %dma_wait3A_147 = arith.constant 0 : i32
      %dma_wait3A_148 = tpu.memref_slice %arg6[%add3A_16, %dma_wait3A_147] : memref<100096x16xf32, #tpu.memory_space<vmem_shared>> -> memref<391x16xf32, #tpu.memory_space<vmem_shared>>
      tpu.wait_dma2 semaphore(%run_scoped3A : memref<!tpu.dma_semaphore, #tpu.memory_space<semaphore_mem>>) src(%arg13 : memref<391x16xf32, #tpu.memory_space<vmem>>) dst(%dma_wait3A_148 : memref<391x16xf32, #tpu.memory_space<vmem_shared>>)
      tpu.yield
    }) : () -> ()
    %mul3A_17 = arith.constant 6256 : i32
    %mul3A_18 = arith.muli %arg1, %mul3A_17 : i32
    %add3A_19 = arith.constant 782 : i32
    %add3A_20 = arith.addi %mul3A_18, %add3A_19 : i32
    "tpu.region"() ({
      %run_scoped3A = tpu.sem_alloc : memref<!tpu.dma_semaphore, #tpu.memory_space<semaphore_mem>>
      %dma_start3A_142 = arith.constant 0 : i32
      %dma_start3A_143 = tpu.memref_slice %arg6[%add3A_20, %dma_start3A_142] : memref<100096x16xf32, #tpu.memory_space<vmem_shared>> -> memref<391x16xf32, #tpu.memory_space<vmem_shared>>
      %dma_start3A_144 = arith.constant 0 : i32
      %dma_start3A_145 = tpu.memref_slice %arg6[%add3A_20, %dma_start3A_144] : memref<100096x16xf32, #tpu.memory_space<vmem_shared>> -> memref<391x16xf32, #tpu.memory_space<vmem_shared>>
      tpu.enqueue_dma source(%arg13 : memref<391x16xf32, #tpu.memory_space<vmem>>) target(%dma_start3A_145 : memref<391x16xf32, #tpu.memory_space<vmem_shared>>) target_semaphore(%run_scoped3A : memref<!tpu.dma_semaphore, #tpu.memory_space<semaphore_mem>>)
      %dma_wait3A = arith.constant 0 : i32
      %dma_wait3A_146 = tpu.memref_slice %arg6[%add3A_20, %dma_wait3A] : memref<100096x16xf32, #tpu.memory_space<vmem_shared>> -> memref<391x16xf32, #tpu.memory_space<vmem_shared>>
      %dma_wait3A_147 = arith.constant 0 : i32
      %dma_wait3A_148 = tpu.memref_slice %arg6[%add3A_20, %dma_wait3A_147] : memref<100096x16xf32, #tpu.memory_space<vmem_shared>> -> memref<391x16xf32, #tpu.memory_space<vmem_shared>>
      tpu.wait_dma2 semaphore(%run_scoped3A : memref<!tpu.dma_semaphore, #tpu.memory_space<semaphore_mem>>) src(%arg13 : memref<391x16xf32, #tpu.memory_space<vmem>>) dst(%dma_wait3A_148 : memref<391x16xf32, #tpu.memory_space<vmem_shared>>)
      tpu.yield
    }) : () -> ()
    %mul3A_21 = arith.constant 6256 : i32
    %mul3A_22 = arith.muli %arg1, %mul3A_21 : i32
    %add3A_23 = arith.constant 1173 : i32
    %add3A_24 = arith.addi %mul3A_22, %add3A_23 : i32
    "tpu.region"() ({
      %run_scoped3A = tpu.sem_alloc : memref<!tpu.dma_semaphore, #tpu.memory_space<semaphore_mem>>
      %dma_start3A_142 = arith.constant 0 : i32
      %dma_start3A_143 = tpu.memref_slice %arg6[%add3A_24, %dma_start3A_142] : memref<100096x16xf32, #tpu.memory_space<vmem_shared>> -> memref<391x16xf32, #tpu.memory_space<vmem_shared>>
      %dma_start3A_144 = arith.constant 0 : i32
      %dma_start3A_145 = tpu.memref_slice %arg6[%add3A_24, %dma_start3A_144] : memref<100096x16xf32, #tpu.memory_space<vmem_shared>> -> memref<391x16xf32, #tpu.memory_space<vmem_shared>>
      tpu.enqueue_dma source(%arg13 : memref<391x16xf32, #tpu.memory_space<vmem>>) target(%dma_start3A_145 : memref<391x16xf32, #tpu.memory_space<vmem_shared>>) target_semaphore(%run_scoped3A : memref<!tpu.dma_semaphore, #tpu.memory_space<semaphore_mem>>)
      %dma_wait3A = arith.constant 0 : i32
      %dma_wait3A_146 = tpu.memref_slice %arg6[%add3A_24, %dma_wait3A] : memref<100096x16xf32, #tpu.memory_space<vmem_shared>> -> memref<391x16xf32, #tpu.memory_space<vmem_shared>>
      %dma_wait3A_147 = arith.constant 0 : i32
      %dma_wait3A_148 = tpu.memref_slice %arg6[%add3A_24, %dma_wait3A_147] : memref<100096x16xf32, #tpu.memory_space<vmem_shared>> -> memref<391x16xf32, #tpu.memory_space<vmem_shared>>
      tpu.wait_dma2 semaphore(%run_scoped3A : memref<!tpu.dma_semaphore, #tpu.memory_space<semaphore_mem>>) src(%arg13 : memref<391x16xf32, #tpu.memory_space<vmem>>) dst(%dma_wait3A_148 : memref<391x16xf32, #tpu.memory_space<vmem_shared>>)
      tpu.yield
    }) : () -> ()
    %mul3A_25 = arith.constant 6256 : i32
    %mul3A_26 = arith.muli %arg1, %mul3A_25 : i32
    %add3A_27 = arith.constant 1564 : i32
    %add3A_28 = arith.addi %mul3A_26, %add3A_27 : i32
    "tpu.region"() ({
      %run_scoped3A = tpu.sem_alloc : memref<!tpu.dma_semaphore, #tpu.memory_space<semaphore_mem>>
      %dma_start3A_142 = arith.constant 0 : i32
      %dma_start3A_143 = tpu.memref_slice %arg6[%add3A_28, %dma_start3A_142] : memref<100096x16xf32, #tpu.memory_space<vmem_shared>> -> memref<391x16xf32, #tpu.memory_space<vmem_shared>>
      %dma_start3A_144 = arith.constant 0 : i32
      %dma_start3A_145 = tpu.memref_slice %arg6[%add3A_28, %dma_start3A_144] : memref<100096x16xf32, #tpu.memory_space<vmem_shared>> -> memref<391x16xf32, #tpu.memory_space<vmem_shared>>
      tpu.enqueue_dma source(%arg13 : memref<391x16xf32, #tpu.memory_space<vmem>>) target(%dma_start3A_145 : memref<391x16xf32, #tpu.memory_space<vmem_shared>>) target_semaphore(%run_scoped3A : memref<!tpu.dma_semaphore, #tpu.memory_space<semaphore_mem>>)
      %dma_wait3A = arith.constant 0 : i32
      %dma_wait3A_146 = tpu.memref_slice %arg6[%add3A_28, %dma_wait3A] : memref<100096x16xf32, #tpu.memory_space<vmem_shared>> -> memref<391x16xf32, #tpu.memory_space<vmem_shared>>
      %dma_wait3A_147 = arith.constant 0 : i32
      %dma_wait3A_148 = tpu.memref_slice %arg6[%add3A_28, %dma_wait3A_147] : memref<100096x16xf32, #tpu.memory_space<vmem_shared>> -> memref<391x16xf32, #tpu.memory_space<vmem_shared>>
      tpu.wait_dma2 semaphore(%run_scoped3A : memref<!tpu.dma_semaphore, #tpu.memory_space<semaphore_mem>>) src(%arg13 : memref<391x16xf32, #tpu.memory_space<vmem>>) dst(%dma_wait3A_148 : memref<391x16xf32, #tpu.memory_space<vmem_shared>>)
      tpu.yield
    }) : () -> ()
    %mul3A_29 = arith.constant 6256 : i32
    %mul3A_30 = arith.muli %arg1, %mul3A_29 : i32
    %add3A_31 = arith.constant 1955 : i32
    %add3A_32 = arith.addi %mul3A_30, %add3A_31 : i32
    "tpu.region"() ({
      %run_scoped3A = tpu.sem_alloc : memref<!tpu.dma_semaphore, #tpu.memory_space<semaphore_mem>>
      %dma_start3A_142 = arith.constant 0 : i32
      %dma_start3A_143 = tpu.memref_slice %arg6[%add3A_32, %dma_start3A_142] : memref<100096x16xf32, #tpu.memory_space<vmem_shared>> -> memref<391x16xf32, #tpu.memory_space<vmem_shared>>
      %dma_start3A_144 = arith.constant 0 : i32
      %dma_start3A_145 = tpu.memref_slice %arg6[%add3A_32, %dma_start3A_144] : memref<100096x16xf32, #tpu.memory_space<vmem_shared>> -> memref<391x16xf32, #tpu.memory_space<vmem_shared>>
      tpu.enqueue_dma source(%arg13 : memref<391x16xf32, #tpu.memory_space<vmem>>) target(%dma_start3A_145 : memref<391x16xf32, #tpu.memory_space<vmem_shared>>) target_semaphore(%run_scoped3A : memref<!tpu.dma_semaphore, #tpu.memory_space<semaphore_mem>>)
      %dma_wait3A = arith.constant 0 : i32
      %dma_wait3A_146 = tpu.memref_slice %arg6[%add3A_32, %dma_wait3A] : memref<100096x16xf32, #tpu.memory_space<vmem_shared>> -> memref<391x16xf32, #tpu.memory_space<vmem_shared>>
      %dma_wait3A_147 = arith.constant 0 : i32
      %dma_wait3A_148 = tpu.memref_slice %arg6[%add3A_32, %dma_wait3A_147] : memref<100096x16xf32, #tpu.memory_space<vmem_shared>> -> memref<391x16xf32, #tpu.memory_space<vmem_shared>>
      tpu.wait_dma2 semaphore(%run_scoped3A : memref<!tpu.dma_semaphore, #tpu.memory_space<semaphore_mem>>) src(%arg13 : memref<391x16xf32, #tpu.memory_space<vmem>>) dst(%dma_wait3A_148 : memref<391x16xf32, #tpu.memory_space<vmem_shared>>)
      tpu.yield
    }) : () -> ()
    %mul3A_33 = arith.constant 6256 : i32
    %mul3A_34 = arith.muli %arg1, %mul3A_33 : i32
    %add3A_35 = arith.constant 2346 : i32
    %add3A_36 = arith.addi %mul3A_34, %add3A_35 : i32
    "tpu.region"() ({
      %run_scoped3A = tpu.sem_alloc : memref<!tpu.dma_semaphore, #tpu.memory_space<semaphore_mem>>
      %dma_start3A_142 = arith.constant 0 : i32
      %dma_start3A_143 = tpu.memref_slice %arg6[%add3A_36, %dma_start3A_142] : memref<100096x16xf32, #tpu.memory_space<vmem_shared>> -> memref<391x16xf32, #tpu.memory_space<vmem_shared>>
      %dma_start3A_144 = arith.constant 0 : i32
      %dma_start3A_145 = tpu.memref_slice %arg6[%add3A_36, %dma_start3A_144] : memref<100096x16xf32, #tpu.memory_space<vmem_shared>> -> memref<391x16xf32, #tpu.memory_space<vmem_shared>>
      tpu.enqueue_dma source(%arg13 : memref<391x16xf32, #tpu.memory_space<vmem>>) target(%dma_start3A_145 : memref<391x16xf32, #tpu.memory_space<vmem_shared>>) target_semaphore(%run_scoped3A : memref<!tpu.dma_semaphore, #tpu.memory_space<semaphore_mem>>)
      %dma_wait3A = arith.constant 0 : i32
      %dma_wait3A_146 = tpu.memref_slice %arg6[%add3A_36, %dma_wait3A] : memref<100096x16xf32, #tpu.memory_space<vmem_shared>> -> memref<391x16xf32, #tpu.memory_space<vmem_shared>>
      %dma_wait3A_147 = arith.constant 0 : i32
      %dma_wait3A_148 = tpu.memref_slice %arg6[%add3A_36, %dma_wait3A_147] : memref<100096x16xf32, #tpu.memory_space<vmem_shared>> -> memref<391x16xf32, #tpu.memory_space<vmem_shared>>
      tpu.wait_dma2 semaphore(%run_scoped3A : memref<!tpu.dma_semaphore, #tpu.memory_space<semaphore_mem>>) src(%arg13 : memref<391x16xf32, #tpu.memory_space<vmem>>) dst(%dma_wait3A_148 : memref<391x16xf32, #tpu.memory_space<vmem_shared>>)
      tpu.yield
    }) : () -> ()
    %mul3A_37 = arith.constant 6256 : i32
    %mul3A_38 = arith.muli %arg1, %mul3A_37 : i32
    %add3A_39 = arith.constant 2737 : i32
    %add3A_40 = arith.addi %mul3A_38, %add3A_39 : i32
    "tpu.region"() ({
      %run_scoped3A = tpu.sem_alloc : memref<!tpu.dma_semaphore, #tpu.memory_space<semaphore_mem>>
      %dma_start3A_142 = arith.constant 0 : i32
      %dma_start3A_143 = tpu.memref_slice %arg6[%add3A_40, %dma_start3A_142] : memref<100096x16xf32, #tpu.memory_space<vmem_shared>> -> memref<391x16xf32, #tpu.memory_space<vmem_shared>>
      %dma_start3A_144 = arith.constant 0 : i32
      %dma_start3A_145 = tpu.memref_slice %arg6[%add3A_40, %dma_start3A_144] : memref<100096x16xf32, #tpu.memory_space<vmem_shared>> -> memref<391x16xf32, #tpu.memory_space<vmem_shared>>
      tpu.enqueue_dma source(%arg13 : memref<391x16xf32, #tpu.memory_space<vmem>>) target(%dma_start3A_145 : memref<391x16xf32, #tpu.memory_space<vmem_shared>>) target_semaphore(%run_scoped3A : memref<!tpu.dma_semaphore, #tpu.memory_space<semaphore_mem>>)
      %dma_wait3A = arith.constant 0 : i32
      %dma_wait3A_146 = tpu.memref_slice %arg6[%add3A_40, %dma_wait3A] : memref<100096x16xf32, #tpu.memory_space<vmem_shared>> -> memref<391x16xf32, #tpu.memory_space<vmem_shared>>
      %dma_wait3A_147 = arith.constant 0 : i32
      %dma_wait3A_148 = tpu.memref_slice %arg6[%add3A_40, %dma_wait3A_147] : memref<100096x16xf32, #tpu.memory_space<vmem_shared>> -> memref<391x16xf32, #tpu.memory_space<vmem_shared>>
      tpu.wait_dma2 semaphore(%run_scoped3A : memref<!tpu.dma_semaphore, #tpu.memory_space<semaphore_mem>>) src(%arg13 : memref<391x16xf32, #tpu.memory_space<vmem>>) dst(%dma_wait3A_148 : memref<391x16xf32, #tpu.memory_space<vmem_shared>>)
      tpu.yield
    }) : () -> ()
    %mul3A_41 = arith.constant 6256 : i32
    %mul3A_42 = arith.muli %arg1, %mul3A_41 : i32
    %add3A_43 = arith.constant 3128 : i32
    %add3A_44 = arith.addi %mul3A_42, %add3A_43 : i32
    "tpu.region"() ({
      %run_scoped3A = tpu.sem_alloc : memref<!tpu.dma_semaphore, #tpu.memory_space<semaphore_mem>>
      %dma_start3A_142 = arith.constant 0 : i32
      %dma_start3A_143 = tpu.memref_slice %arg6[%add3A_44, %dma_start3A_142] : memref<100096x16xf32, #tpu.memory_space<vmem_shared>> -> memref<391x16xf32, #tpu.memory_space<vmem_shared>>
      %dma_start3A_144 = arith.constant 0 : i32
      %dma_start3A_145 = tpu.memref_slice %arg6[%add3A_44, %dma_start3A_144] : memref<100096x16xf32, #tpu.memory_space<vmem_shared>> -> memref<391x16xf32, #tpu.memory_space<vmem_shared>>
      tpu.enqueue_dma source(%arg13 : memref<391x16xf32, #tpu.memory_space<vmem>>) target(%dma_start3A_145 : memref<391x16xf32, #tpu.memory_space<vmem_shared>>) target_semaphore(%run_scoped3A : memref<!tpu.dma_semaphore, #tpu.memory_space<semaphore_mem>>)
      %dma_wait3A = arith.constant 0 : i32
      %dma_wait3A_146 = tpu.memref_slice %arg6[%add3A_44, %dma_wait3A] : memref<100096x16xf32, #tpu.memory_space<vmem_shared>> -> memref<391x16xf32, #tpu.memory_space<vmem_shared>>
      %dma_wait3A_147 = arith.constant 0 : i32
      %dma_wait3A_148 = tpu.memref_slice %arg6[%add3A_44, %dma_wait3A_147] : memref<100096x16xf32, #tpu.memory_space<vmem_shared>> -> memref<391x16xf32, #tpu.memory_space<vmem_shared>>
      tpu.wait_dma2 semaphore(%run_scoped3A : memref<!tpu.dma_semaphore, #tpu.memory_space<semaphore_mem>>) src(%arg13 : memref<391x16xf32, #tpu.memory_space<vmem>>) dst(%dma_wait3A_148 : memref<391x16xf32, #tpu.memory_space<vmem_shared>>)
      tpu.yield
    }) : () -> ()
    %mul3A_45 = arith.constant 6256 : i32
    %mul3A_46 = arith.muli %arg1, %mul3A_45 : i32
    %add3A_47 = arith.constant 3519 : i32
    %add3A_48 = arith.addi %mul3A_46, %add3A_47 : i32
    "tpu.region"() ({
      %run_scoped3A = tpu.sem_alloc : memref<!tpu.dma_semaphore, #tpu.memory_space<semaphore_mem>>
      %dma_start3A_142 = arith.constant 0 : i32
      %dma_start3A_143 = tpu.memref_slice %arg6[%add3A_48, %dma_start3A_142] : memref<100096x16xf32, #tpu.memory_space<vmem_shared>> -> memref<391x16xf32, #tpu.memory_space<vmem_shared>>
      %dma_start3A_144 = arith.constant 0 : i32
      %dma_start3A_145 = tpu.memref_slice %arg6[%add3A_48, %dma_start3A_144] : memref<100096x16xf32, #tpu.memory_space<vmem_shared>> -> memref<391x16xf32, #tpu.memory_space<vmem_shared>>
      tpu.enqueue_dma source(%arg13 : memref<391x16xf32, #tpu.memory_space<vmem>>) target(%dma_start3A_145 : memref<391x16xf32, #tpu.memory_space<vmem_shared>>) target_semaphore(%run_scoped3A : memref<!tpu.dma_semaphore, #tpu.memory_space<semaphore_mem>>)
      %dma_wait3A = arith.constant 0 : i32
      %dma_wait3A_146 = tpu.memref_slice %arg6[%add3A_48, %dma_wait3A] : memref<100096x16xf32, #tpu.memory_space<vmem_shared>> -> memref<391x16xf32, #tpu.memory_space<vmem_shared>>
      %dma_wait3A_147 = arith.constant 0 : i32
      %dma_wait3A_148 = tpu.memref_slice %arg6[%add3A_48, %dma_wait3A_147] : memref<100096x16xf32, #tpu.memory_space<vmem_shared>> -> memref<391x16xf32, #tpu.memory_space<vmem_shared>>
      tpu.wait_dma2 semaphore(%run_scoped3A : memref<!tpu.dma_semaphore, #tpu.memory_space<semaphore_mem>>) src(%arg13 : memref<391x16xf32, #tpu.memory_space<vmem>>) dst(%dma_wait3A_148 : memref<391x16xf32, #tpu.memory_space<vmem_shared>>)
      tpu.yield
    }) : () -> ()
    %mul3A_49 = arith.constant 6256 : i32
    %mul3A_50 = arith.muli %arg1, %mul3A_49 : i32
    %add3A_51 = arith.constant 3910 : i32
    %add3A_52 = arith.addi %mul3A_50, %add3A_51 : i32
    "tpu.region"() ({
      %run_scoped3A = tpu.sem_alloc : memref<!tpu.dma_semaphore, #tpu.memory_space<semaphore_mem>>
      %dma_start3A_142 = arith.constant 0 : i32
      %dma_start3A_143 = tpu.memref_slice %arg6[%add3A_52, %dma_start3A_142] : memref<100096x16xf32, #tpu.memory_space<vmem_shared>> -> memref<391x16xf32, #tpu.memory_space<vmem_shared>>
      %dma_start3A_144 = arith.constant 0 : i32
      %dma_start3A_145 = tpu.memref_slice %arg6[%add3A_52, %dma_start3A_144] : memref<100096x16xf32, #tpu.memory_space<vmem_shared>> -> memref<391x16xf32, #tpu.memory_space<vmem_shared>>
      tpu.enqueue_dma source(%arg13 : memref<391x16xf32, #tpu.memory_space<vmem>>) target(%dma_start3A_145 : memref<391x16xf32, #tpu.memory_space<vmem_shared>>) target_semaphore(%run_scoped3A : memref<!tpu.dma_semaphore, #tpu.memory_space<semaphore_mem>>)
      %dma_wait3A = arith.constant 0 : i32
      %dma_wait3A_146 = tpu.memref_slice %arg6[%add3A_52, %dma_wait3A] : memref<100096x16xf32, #tpu.memory_space<vmem_shared>> -> memref<391x16xf32, #tpu.memory_space<vmem_shared>>
      %dma_wait3A_147 = arith.constant 0 : i32
      %dma_wait3A_148 = tpu.memref_slice %arg6[%add3A_52, %dma_wait3A_147] : memref<100096x16xf32, #tpu.memory_space<vmem_shared>> -> memref<391x16xf32, #tpu.memory_space<vmem_shared>>
      tpu.wait_dma2 semaphore(%run_scoped3A : memref<!tpu.dma_semaphore, #tpu.memory_space<semaphore_mem>>) src(%arg13 : memref<391x16xf32, #tpu.memory_space<vmem>>) dst(%dma_wait3A_148 : memref<391x16xf32, #tpu.memory_space<vmem_shared>>)
      tpu.yield
    }) : () -> ()
    %mul3A_53 = arith.constant 6256 : i32
    %mul3A_54 = arith.muli %arg1, %mul3A_53 : i32
    %add3A_55 = arith.constant 4301 : i32
    %add3A_56 = arith.addi %mul3A_54, %add3A_55 : i32
    "tpu.region"() ({
      %run_scoped3A = tpu.sem_alloc : memref<!tpu.dma_semaphore, #tpu.memory_space<semaphore_mem>>
      %dma_start3A_142 = arith.constant 0 : i32
      %dma_start3A_143 = tpu.memref_slice %arg6[%add3A_56, %dma_start3A_142] : memref<100096x16xf32, #tpu.memory_space<vmem_shared>> -> memref<391x16xf32, #tpu.memory_space<vmem_shared>>
      %dma_start3A_144 = arith.constant 0 : i32
      %dma_start3A_145 = tpu.memref_slice %arg6[%add3A_56, %dma_start3A_144] : memref<100096x16xf32, #tpu.memory_space<vmem_shared>> -> memref<391x16xf32, #tpu.memory_space<vmem_shared>>
      tpu.enqueue_dma source(%arg13 : memref<391x16xf32, #tpu.memory_space<vmem>>) target(%dma_start3A_145 : memref<391x16xf32, #tpu.memory_space<vmem_shared>>) target_semaphore(%run_scoped3A : memref<!tpu.dma_semaphore, #tpu.memory_space<semaphore_mem>>)
      %dma_wait3A = arith.constant 0 : i32
      %dma_wait3A_146 = tpu.memref_slice %arg6[%add3A_56, %dma_wait3A] : memref<100096x16xf32, #tpu.memory_space<vmem_shared>> -> memref<391x16xf32, #tpu.memory_space<vmem_shared>>
      %dma_wait3A_147 = arith.constant 0 : i32
      %dma_wait3A_148 = tpu.memref_slice %arg6[%add3A_56, %dma_wait3A_147] : memref<100096x16xf32, #tpu.memory_space<vmem_shared>> -> memref<391x16xf32, #tpu.memory_space<vmem_shared>>
      tpu.wait_dma2 semaphore(%run_scoped3A : memref<!tpu.dma_semaphore, #tpu.memory_space<semaphore_mem>>) src(%arg13 : memref<391x16xf32, #tpu.memory_space<vmem>>) dst(%dma_wait3A_148 : memref<391x16xf32, #tpu.memory_space<vmem_shared>>)
      tpu.yield
    }) : () -> ()
    %mul3A_57 = arith.constant 6256 : i32
    %mul3A_58 = arith.muli %arg1, %mul3A_57 : i32
    %add3A_59 = arith.constant 4692 : i32
    %add3A_60 = arith.addi %mul3A_58, %add3A_59 : i32
    "tpu.region"() ({
      %run_scoped3A = tpu.sem_alloc : memref<!tpu.dma_semaphore, #tpu.memory_space<semaphore_mem>>
      %dma_start3A_142 = arith.constant 0 : i32
      %dma_start3A_143 = tpu.memref_slice %arg6[%add3A_60, %dma_start3A_142] : memref<100096x16xf32, #tpu.memory_space<vmem_shared>> -> memref<391x16xf32, #tpu.memory_space<vmem_shared>>
      %dma_start3A_144 = arith.constant 0 : i32
      %dma_start3A_145 = tpu.memref_slice %arg6[%add3A_60, %dma_start3A_144] : memref<100096x16xf32, #tpu.memory_space<vmem_shared>> -> memref<391x16xf32, #tpu.memory_space<vmem_shared>>
      tpu.enqueue_dma source(%arg13 : memref<391x16xf32, #tpu.memory_space<vmem>>) target(%dma_start3A_145 : memref<391x16xf32, #tpu.memory_space<vmem_shared>>) target_semaphore(%run_scoped3A : memref<!tpu.dma_semaphore, #tpu.memory_space<semaphore_mem>>)
      %dma_wait3A = arith.constant 0 : i32
      %dma_wait3A_146 = tpu.memref_slice %arg6[%add3A_60, %dma_wait3A] : memref<100096x16xf32, #tpu.memory_space<vmem_shared>> -> memref<391x16xf32, #tpu.memory_space<vmem_shared>>
      %dma_wait3A_147 = arith.constant 0 : i32
      %dma_wait3A_148 = tpu.memref_slice %arg6[%add3A_60, %dma_wait3A_147] : memref<100096x16xf32, #tpu.memory_space<vmem_shared>> -> memref<391x16xf32, #tpu.memory_space<vmem_shared>>
      tpu.wait_dma2 semaphore(%run_scoped3A : memref<!tpu.dma_semaphore, #tpu.memory_space<semaphore_mem>>) src(%arg13 : memref<391x16xf32, #tpu.memory_space<vmem>>) dst(%dma_wait3A_148 : memref<391x16xf32, #tpu.memory_space<vmem_shared>>)
      tpu.yield
    }) : () -> ()
    %mul3A_61 = arith.constant 6256 : i32
    %mul3A_62 = arith.muli %arg1, %mul3A_61 : i32
    %add3A_63 = arith.constant 5083 : i32
    %add3A_64 = arith.addi %mul3A_62, %add3A_63 : i32
    "tpu.region"() ({
      %run_scoped3A = tpu.sem_alloc : memref<!tpu.dma_semaphore, #tpu.memory_space<semaphore_mem>>
      %dma_start3A_142 = arith.constant 0 : i32
      %dma_start3A_143 = tpu.memref_slice %arg6[%add3A_64, %dma_start3A_142] : memref<100096x16xf32, #tpu.memory_space<vmem_shared>> -> memref<391x16xf32, #tpu.memory_space<vmem_shared>>
      %dma_start3A_144 = arith.constant 0 : i32
      %dma_start3A_145 = tpu.memref_slice %arg6[%add3A_64, %dma_start3A_144] : memref<100096x16xf32, #tpu.memory_space<vmem_shared>> -> memref<391x16xf32, #tpu.memory_space<vmem_shared>>
      tpu.enqueue_dma source(%arg13 : memref<391x16xf32, #tpu.memory_space<vmem>>) target(%dma_start3A_145 : memref<391x16xf32, #tpu.memory_space<vmem_shared>>) target_semaphore(%run_scoped3A : memref<!tpu.dma_semaphore, #tpu.memory_space<semaphore_mem>>)
      %dma_wait3A = arith.constant 0 : i32
      %dma_wait3A_146 = tpu.memref_slice %arg6[%add3A_64, %dma_wait3A] : memref<100096x16xf32, #tpu.memory_space<vmem_shared>> -> memref<391x16xf32, #tpu.memory_space<vmem_shared>>
      %dma_wait3A_147 = arith.constant 0 : i32
      %dma_wait3A_148 = tpu.memref_slice %arg6[%add3A_64, %dma_wait3A_147] : memref<100096x16xf32, #tpu.memory_space<vmem_shared>> -> memref<391x16xf32, #tpu.memory_space<vmem_shared>>
      tpu.wait_dma2 semaphore(%run_scoped3A : memref<!tpu.dma_semaphore, #tpu.memory_space<semaphore_mem>>) src(%arg13 : memref<391x16xf32, #tpu.memory_space<vmem>>) dst(%dma_wait3A_148 : memref<391x16xf32, #tpu.memory_space<vmem_shared>>)
      tpu.yield
    }) : () -> ()
    %mul3A_65 = arith.constant 6256 : i32
    %mul3A_66 = arith.muli %arg1, %mul3A_65 : i32
    %add3A_67 = arith.constant 5474 : i32
    %add3A_68 = arith.addi %mul3A_66, %add3A_67 : i32
    "tpu.region"() ({
      %run_scoped3A = tpu.sem_alloc : memref<!tpu.dma_semaphore, #tpu.memory_space<semaphore_mem>>
      %dma_start3A_142 = arith.constant 0 : i32
      %dma_start3A_143 = tpu.memref_slice %arg6[%add3A_68, %dma_start3A_142] : memref<100096x16xf32, #tpu.memory_space<vmem_shared>> -> memref<391x16xf32, #tpu.memory_space<vmem_shared>>
      %dma_start3A_144 = arith.constant 0 : i32
      %dma_start3A_145 = tpu.memref_slice %arg6[%add3A_68, %dma_start3A_144] : memref<100096x16xf32, #tpu.memory_space<vmem_shared>> -> memref<391x16xf32, #tpu.memory_space<vmem_shared>>
      tpu.enqueue_dma source(%arg13 : memref<391x16xf32, #tpu.memory_space<vmem>>) target(%dma_start3A_145 : memref<391x16xf32, #tpu.memory_space<vmem_shared>>) target_semaphore(%run_scoped3A : memref<!tpu.dma_semaphore, #tpu.memory_space<semaphore_mem>>)
      %dma_wait3A = arith.constant 0 : i32
      %dma_wait3A_146 = tpu.memref_slice %arg6[%add3A_68, %dma_wait3A] : memref<100096x16xf32, #tpu.memory_space<vmem_shared>> -> memref<391x16xf32, #tpu.memory_space<vmem_shared>>
      %dma_wait3A_147 = arith.constant 0 : i32
      %dma_wait3A_148 = tpu.memref_slice %arg6[%add3A_68, %dma_wait3A_147] : memref<100096x16xf32, #tpu.memory_space<vmem_shared>> -> memref<391x16xf32, #tpu.memory_space<vmem_shared>>
      tpu.wait_dma2 semaphore(%run_scoped3A : memref<!tpu.dma_semaphore, #tpu.memory_space<semaphore_mem>>) src(%arg13 : memref<391x16xf32, #tpu.memory_space<vmem>>) dst(%dma_wait3A_148 : memref<391x16xf32, #tpu.memory_space<vmem_shared>>)
      tpu.yield
    }) : () -> ()
    %mul3A_69 = arith.constant 6256 : i32
    %mul3A_70 = arith.muli %arg1, %mul3A_69 : i32
    %add3A_71 = arith.constant 5865 : i32
    %add3A_72 = arith.addi %mul3A_70, %add3A_71 : i32
    "tpu.region"() ({
      %run_scoped3A = tpu.sem_alloc : memref<!tpu.dma_semaphore, #tpu.memory_space<semaphore_mem>>
      %dma_start3A_142 = arith.constant 0 : i32
      %dma_start3A_143 = tpu.memref_slice %arg6[%add3A_72, %dma_start3A_142] : memref<100096x16xf32, #tpu.memory_space<vmem_shared>> -> memref<391x16xf32, #tpu.memory_space<vmem_shared>>
      %dma_start3A_144 = arith.constant 0 : i32
      %dma_start3A_145 = tpu.memref_slice %arg6[%add3A_72, %dma_start3A_144] : memref<100096x16xf32, #tpu.memory_space<vmem_shared>> -> memref<391x16xf32, #tpu.memory_space<vmem_shared>>
      tpu.enqueue_dma source(%arg13 : memref<391x16xf32, #tpu.memory_space<vmem>>) target(%dma_start3A_145 : memref<391x16xf32, #tpu.memory_space<vmem_shared>>) target_semaphore(%run_scoped3A : memref<!tpu.dma_semaphore, #tpu.memory_space<semaphore_mem>>)
      %dma_wait3A = arith.constant 0 : i32
      %dma_wait3A_146 = tpu.memref_slice %arg6[%add3A_72, %dma_wait3A] : memref<100096x16xf32, #tpu.memory_space<vmem_shared>> -> memref<391x16xf32, #tpu.memory_space<vmem_shared>>
      %dma_wait3A_147 = arith.constant 0 : i32
      %dma_wait3A_148 = tpu.memref_slice %arg6[%add3A_72, %dma_wait3A_147] : memref<100096x16xf32, #tpu.memory_space<vmem_shared>> -> memref<391x16xf32, #tpu.memory_space<vmem_shared>>
      tpu.wait_dma2 semaphore(%run_scoped3A : memref<!tpu.dma_semaphore, #tpu.memory_space<semaphore_mem>>) src(%arg13 : memref<391x16xf32, #tpu.memory_space<vmem>>) dst(%dma_wait3A_148 : memref<391x16xf32, #tpu.memory_space<vmem_shared>>)
      tpu.yield
    }) : () -> ()
    %barrier3A = arith.constant 0 : index
    tpu.barrier barrier_id(%barrier3A)
    "tpu.region"() ({
      %run_scoped3A = tpu.sem_alloc : memref<!tpu.dma_semaphore, #tpu.memory_space<semaphore_mem>>
      %dma_start3A_142 = arith.constant 0 : i32
      %dma_start3A_143 = tpu.memref_slice %arg3[%mul3A_2, %dma_start3A_142] : memref<28160x128xi32, #tpu.memory_space<hbm>> -> memref<4x128xi32, #tpu.memory_space<hbm>>
      %dma_start3A_144 = arith.constant 0 : i32
      %dma_start3A_145 = tpu.memref_slice %arg3[%mul3A_2, %dma_start3A_144] : memref<28160x128xi32, #tpu.memory_space<hbm>> -> memref<4x128xi32, #tpu.memory_space<hbm>>
      tpu.enqueue_dma source(%dma_start3A_145 : memref<4x128xi32, #tpu.memory_space<hbm>>) target(%arg7 : memref<4x128xi32, #tpu.memory_space<vmem>>) target_semaphore(%run_scoped3A : memref<!tpu.dma_semaphore, #tpu.memory_space<semaphore_mem>>)
      %dma_wait3A = arith.constant 0 : i32
      %dma_wait3A_146 = tpu.memref_slice %arg3[%mul3A_2, %dma_wait3A] : memref<28160x128xi32, #tpu.memory_space<hbm>> -> memref<4x128xi32, #tpu.memory_space<hbm>>
      %dma_wait3A_147 = arith.constant 0 : i32
      %dma_wait3A_148 = tpu.memref_slice %arg3[%mul3A_2, %dma_wait3A_147] : memref<28160x128xi32, #tpu.memory_space<hbm>> -> memref<4x128xi32, #tpu.memory_space<hbm>>
      tpu.wait_dma2 semaphore(%run_scoped3A : memref<!tpu.dma_semaphore, #tpu.memory_space<semaphore_mem>>) src(%dma_wait3A_148 : memref<4x128xi32, #tpu.memory_space<hbm>>) dst(%arg7 : memref<4x128xi32, #tpu.memory_space<vmem>>)
      tpu.yield
    }) : () -> ()
    "tpu.region"() ({
      %run_scoped3A = tpu.sem_alloc : memref<!tpu.dma_semaphore, #tpu.memory_space<semaphore_mem>>
      %dma_start3A_142 = arith.constant 0 : i32
      %dma_start3A_143 = tpu.memref_slice %arg4[%mul3A_2, %dma_start3A_142] : memref<28160x128xi32, #tpu.memory_space<hbm>> -> memref<4x128xi32, #tpu.memory_space<hbm>>
      %dma_start3A_144 = arith.constant 0 : i32
      %dma_start3A_145 = tpu.memref_slice %arg4[%mul3A_2, %dma_start3A_144] : memref<28160x128xi32, #tpu.memory_space<hbm>> -> memref<4x128xi32, #tpu.memory_space<hbm>>
      tpu.enqueue_dma source(%dma_start3A_145 : memref<4x128xi32, #tpu.memory_space<hbm>>) target(%arg8 : memref<4x128xi32, #tpu.memory_space<vmem>>) target_semaphore(%run_scoped3A : memref<!tpu.dma_semaphore, #tpu.memory_space<semaphore_mem>>)
      %dma_wait3A = arith.constant 0 : i32
      %dma_wait3A_146 = tpu.memref_slice %arg4[%mul3A_2, %dma_wait3A] : memref<28160x128xi32, #tpu.memory_space<hbm>> -> memref<4x128xi32, #tpu.memory_space<hbm>>
      %dma_wait3A_147 = arith.constant 0 : i32
      %dma_wait3A_148 = tpu.memref_slice %arg4[%mul3A_2, %dma_wait3A_147] : memref<28160x128xi32, #tpu.memory_space<hbm>> -> memref<4x128xi32, #tpu.memory_space<hbm>>
      tpu.wait_dma2 semaphore(%run_scoped3A : memref<!tpu.dma_semaphore, #tpu.memory_space<semaphore_mem>>) src(%dma_wait3A_148 : memref<4x128xi32, #tpu.memory_space<hbm>>) dst(%arg8 : memref<4x128xi32, #tpu.memory_space<vmem>>)
      tpu.yield
    }) : () -> ()
    %dma_start3A = arith.constant 0 : i32
    %dma_start3A_73 = arith.constant 0 : i32
    %dma_start3A_74 = arith.constant 0 : i32
    %dma_start3A_75 = arith.constant 0 : i32
    %dma_start3A_76 = tpu.memref_slice %arg11[%dma_start3A_73, %dma_start3A_74, %dma_start3A_75] : memref<4x128x16xf32, #tpu.memory_space<vmem>> -> memref<1x128x16xf32, #tpu.memory_space<vmem>>
    %dma_start3A_77 = tpu.memref_squeeze %dma_start3A_76 : memref<1x128x16xf32, #tpu.memory_space<vmem>> -> memref<128x16xf32, #tpu.memory_space<vmem>>
    %dma_start3A_78 = arith.constant 0 : i32
    %dma_start3A_79 = tpu.memref_slice %arg7[%dma_start3A, %dma_start3A_78] : memref<4x128xi32, #tpu.memory_space<vmem>> -> memref<1x128xi32, #tpu.memory_space<vmem>>
    %dma_start3A_80 = tpu.memref_squeeze %dma_start3A_79 : memref<1x128xi32, #tpu.memory_space<vmem>> -> memref<128xi32, #tpu.memory_space<vmem>>
    %dma_start3A_81 = arith.constant 0 : i32
    %dma_start3A_82 = arith.constant 0 : i32
    %dma_start3A_83 = tpu.memref_slice %arg2[%dma_start3A_81, %dma_start3A_82] : memref<110000x16xf32, #tpu.memory_space<hbm>> -> memref<110000x16xf32, #tpu.memory_space<hbm>>
    tpu.enqueue_indirect_dma source(%dma_start3A_83 : memref<110000x16xf32, #tpu.memory_space<hbm>>) target(%dma_start3A_77 : memref<128x16xf32, #tpu.memory_space<vmem>>) offsets(%dma_start3A_80 : memref<128xi32, #tpu.memory_space<vmem>>) semaphore(%arg15 : memref<!tpu.dma_semaphore, #tpu.memory_space<semaphore_mem>>)
    %dma_start3A_84 = arith.constant 1 : i32
    %dma_start3A_85 = arith.constant 1 : i32
    %dma_start3A_86 = arith.constant 0 : i32
    %dma_start3A_87 = arith.constant 0 : i32
    %dma_start3A_88 = tpu.memref_slice %arg11[%dma_start3A_85, %dma_start3A_86, %dma_start3A_87] : memref<4x128x16xf32, #tpu.memory_space<vmem>> -> memref<1x128x16xf32, #tpu.memory_space<vmem>>
    %dma_start3A_89 = tpu.memref_squeeze %dma_start3A_88 : memref<1x128x16xf32, #tpu.memory_space<vmem>> -> memref<128x16xf32, #tpu.memory_space<vmem>>
    %dma_start3A_90 = arith.constant 0 : i32
    %dma_start3A_91 = tpu.memref_slice %arg7[%dma_start3A_84, %dma_start3A_90] : memref<4x128xi32, #tpu.memory_space<vmem>> -> memref<1x128xi32, #tpu.memory_space<vmem>>
    %dma_start3A_92 = tpu.memref_squeeze %dma_start3A_91 : memref<1x128xi32, #tpu.memory_space<vmem>> -> memref<128xi32, #tpu.memory_space<vmem>>
    %dma_start3A_93 = arith.constant 0 : i32
    %dma_start3A_94 = arith.constant 0 : i32
    %dma_start3A_95 = tpu.memref_slice %arg2[%dma_start3A_93, %dma_start3A_94] : memref<110000x16xf32, #tpu.memory_space<hbm>> -> memref<110000x16xf32, #tpu.memory_space<hbm>>
    tpu.enqueue_indirect_dma source(%dma_start3A_95 : memref<110000x16xf32, #tpu.memory_space<hbm>>) target(%dma_start3A_89 : memref<128x16xf32, #tpu.memory_space<vmem>>) offsets(%dma_start3A_92 : memref<128xi32, #tpu.memory_space<vmem>>) semaphore(%arg15 : memref<!tpu.dma_semaphore, #tpu.memory_space<semaphore_mem>>)
    %dma_start3A_96 = arith.constant 2 : i32
    %dma_start3A_97 = arith.constant 2 : i32
    %dma_start3A_98 = arith.constant 0 : i32
    %dma_start3A_99 = arith.constant 0 : i32
    %dma_start3A_100 = tpu.memref_slice %arg11[%dma_start3A_97, %dma_start3A_98, %dma_start3A_99] : memref<4x128x16xf32, #tpu.memory_space<vmem>> -> memref<1x128x16xf32, #tpu.memory_space<vmem>>
    %dma_start3A_101 = tpu.memref_squeeze %dma_start3A_100 : memref<1x128x16xf32, #tpu.memory_space<vmem>> -> memref<128x16xf32, #tpu.memory_space<vmem>>
    %dma_start3A_102 = arith.constant 0 : i32
    %dma_start3A_103 = tpu.memref_slice %arg7[%dma_start3A_96, %dma_start3A_102] : memref<4x128xi32, #tpu.memory_space<vmem>> -> memref<1x128xi32, #tpu.memory_space<vmem>>
    %dma_start3A_104 = tpu.memref_squeeze %dma_start3A_103 : memref<1x128xi32, #tpu.memory_space<vmem>> -> memref<128xi32, #tpu.memory_space<vmem>>
    %dma_start3A_105 = arith.constant 0 : i32
    %dma_start3A_106 = arith.constant 0 : i32
    %dma_start3A_107 = tpu.memref_slice %arg2[%dma_start3A_105, %dma_start3A_106] : memref<110000x16xf32, #tpu.memory_space<hbm>> -> memref<110000x16xf32, #tpu.memory_space<hbm>>
    tpu.enqueue_indirect_dma source(%dma_start3A_107 : memref<110000x16xf32, #tpu.memory_space<hbm>>) target(%dma_start3A_101 : memref<128x16xf32, #tpu.memory_space<vmem>>) offsets(%dma_start3A_104 : memref<128xi32, #tpu.memory_space<vmem>>) semaphore(%arg15 : memref<!tpu.dma_semaphore, #tpu.memory_space<semaphore_mem>>)
    %dma_start3A_108 = arith.constant 3 : i32
    %dma_start3A_109 = arith.constant 3 : i32
    %dma_start3A_110 = arith.constant 0 : i32
    %dma_start3A_111 = arith.constant 0 : i32
    %dma_start3A_112 = tpu.memref_slice %arg11[%dma_start3A_109, %dma_start3A_110, %dma_start3A_111] : memref<4x128x16xf32, #tpu.memory_space<vmem>> -> memref<1x128x16xf32, #tpu.memory_space<vmem>>
    %dma_start3A_113 = tpu.memref_squeeze %dma_start3A_112 : memref<1x128x16xf32, #tpu.memory_space<vmem>> -> memref<128x16xf32, #tpu.memory_space<vmem>>
    %dma_start3A_114 = arith.constant 0 : i32
    %dma_start3A_115 = tpu.memref_slice %arg7[%dma_start3A_108, %dma_start3A_114] : memref<4x128xi32, #tpu.memory_space<vmem>> -> memref<1x128xi32, #tpu.memory_space<vmem>>
    %dma_start3A_116 = tpu.memref_squeeze %dma_start3A_115 : memref<1x128xi32, #tpu.memory_space<vmem>> -> memref<128xi32, #tpu.memory_space<vmem>>
    %dma_start3A_117 = arith.constant 0 : i32
    %dma_start3A_118 = arith.constant 0 : i32
    %dma_start3A_119 = tpu.memref_slice %arg2[%dma_start3A_117, %dma_start3A_118] : memref<110000x16xf32, #tpu.memory_space<hbm>> -> memref<110000x16xf32, #tpu.memory_space<hbm>>
    tpu.enqueue_indirect_dma source(%dma_start3A_119 : memref<110000x16xf32, #tpu.memory_space<hbm>>) target(%dma_start3A_113 : memref<128x16xf32, #tpu.memory_space<vmem>>) offsets(%dma_start3A_116 : memref<128xi32, #tpu.memory_space<vmem>>) semaphore(%arg15 : memref<!tpu.dma_semaphore, #tpu.memory_space<semaphore_mem>>)
    %add3A_120 = arith.constant 4 : i32
    %add3A_121 = arith.addi %mul3A_2, %add3A_120 : i32
    %dma_start3A_122 = arith.constant 0 : i32
    %dma_start3A_123 = tpu.memref_slice %arg3[%add3A_121, %dma_start3A_122] : memref<28160x128xi32, #tpu.memory_space<hbm>> -> memref<4x128xi32, #tpu.memory_space<hbm>>
    %dma_start3A_124 = arith.constant 0 : i32
    %dma_start3A_125 = tpu.memref_slice %arg3[%add3A_121, %dma_start3A_124] : memref<28160x128xi32, #tpu.memory_space<hbm>> -> memref<4x128xi32, #tpu.memory_space<hbm>>
    tpu.enqueue_dma source(%dma_start3A_125 : memref<4x128xi32, #tpu.memory_space<hbm>>) target(%arg9 : memref<4x128xi32, #tpu.memory_space<vmem>>) target_semaphore(%arg14 : memref<!tpu.dma_semaphore, #tpu.memory_space<semaphore_mem>>)
    %dma_start3A_126 = arith.constant 0 : i32
    %dma_start3A_127 = tpu.memref_slice %arg4[%add3A_121, %dma_start3A_126] : memref<28160x128xi32, #tpu.memory_space<hbm>> -> memref<4x128xi32, #tpu.memory_space<hbm>>
    %dma_start3A_128 = arith.constant 0 : i32
    %dma_start3A_129 = tpu.memref_slice %arg4[%add3A_121, %dma_start3A_128] : memref<28160x128xi32, #tpu.memory_space<hbm>> -> memref<4x128xi32, #tpu.memory_space<hbm>>
    tpu.enqueue_dma source(%dma_start3A_129 : memref<4x128xi32, #tpu.memory_space<hbm>>) target(%arg10 : memref<4x128xi32, #tpu.memory_space<vmem>>) target_semaphore(%arg14 : memref<!tpu.dma_semaphore, #tpu.memory_space<semaphore_mem>>)
    %scan3A_130 = arith.constant 0 : i32
    %scan3A_131 = arith.constant 0 : i32
    %scan3A_132 = arith.constant 220 : i32
    %scan3A_133 = arith.addi %scan3A_131, %scan3A_132 : i32
    %scan3A_134 = arith.constant 1 : i32
    %scan3A_135 = scf.for %scan3A_142 = %scan3A_131 to %scan3A_133 step %scan3A_134 iter_args(%scan3A_143 = %scan3A_130) -> (i32)  : i32 {
      %rem3A = arith.constant 2 : i32
      %rem3A_144 = arith.remsi %scan3A_142, %rem3A : i32
      %eq3A = arith.constant 0 : i32
      %eq3A_145 = arith.cmpi eq, %rem3A_144, %eq3A : i32
      %convert_element_type3A = arith.extui %eq3A_145 : i1 to i32
      %cond3A = arith.constant 0 : i32
      %cond3A_146 = arith.cmpi ne, %convert_element_type3A, %cond3A : i32
      scf.if %cond3A_146 {
        %dma_wait3A = arith.constant 0 : i32
        %dma_wait3A_155 = arith.constant 0 : i32
        %dma_wait3A_156 = arith.constant 0 : i32
        %dma_wait3A_157 = arith.constant 0 : i32
        %dma_wait3A_158 = tpu.memref_slice %arg11[%dma_wait3A_155, %dma_wait3A_156, %dma_wait3A_157] : memref<4x128x16xf32, #tpu.memory_space<vmem>> -> memref<1x128x16xf32, #tpu.memory_space<vmem>>
        %dma_wait3A_159 = tpu.memref_squeeze %dma_wait3A_158 : memref<1x128x16xf32, #tpu.memory_space<vmem>> -> memref<128x16xf32, #tpu.memory_space<vmem>>
        %dma_wait3A_160 = arith.constant 0 : i32
        %dma_wait3A_161 = tpu.memref_slice %arg7[%dma_wait3A, %dma_wait3A_160] : memref<4x128xi32, #tpu.memory_space<vmem>> -> memref<1x128xi32, #tpu.memory_space<vmem>>
        %dma_wait3A_162 = tpu.memref_squeeze %dma_wait3A_161 : memref<1x128xi32, #tpu.memory_space<vmem>> -> memref<128xi32, #tpu.memory_space<vmem>>
        %dma_wait3A_163 = arith.constant 0 : i32
        %dma_wait3A_164 = arith.constant 0 : i32
        %dma_wait3A_165 = tpu.memref_slice %arg2[%dma_wait3A_163, %dma_wait3A_164] : memref<110000x16xf32, #tpu.memory_space<hbm>> -> memref<110000x16xf32, #tpu.memory_space<hbm>>
        tpu.wait_indirect_dma semaphore(%arg15 : memref<!tpu.dma_semaphore, #tpu.memory_space<semaphore_mem>>) src(%dma_wait3A_165 : memref<110000x16xf32, #tpu.memory_space<hbm>>) dst(%dma_wait3A_159 : memref<128x16xf32, #tpu.memory_space<vmem>>)
        %dma_wait3A_166 = arith.constant 1 : i32
        %dma_wait3A_167 = arith.constant 1 : i32
        %dma_wait3A_168 = arith.constant 0 : i32
        %dma_wait3A_169 = arith.constant 0 : i32
        %dma_wait3A_170 = tpu.memref_slice %arg11[%dma_wait3A_167, %dma_wait3A_168, %dma_wait3A_169] : memref<4x128x16xf32, #tpu.memory_space<vmem>> -> memref<1x128x16xf32, #tpu.memory_space<vmem>>
        %dma_wait3A_171 = tpu.memref_squeeze %dma_wait3A_170 : memref<1x128x16xf32, #tpu.memory_space<vmem>> -> memref<128x16xf32, #tpu.memory_space<vmem>>
        %dma_wait3A_172 = arith.constant 0 : i32
        %dma_wait3A_173 = tpu.memref_slice %arg7[%dma_wait3A_166, %dma_wait3A_172] : memref<4x128xi32, #tpu.memory_space<vmem>> -> memref<1x128xi32, #tpu.memory_space<vmem>>
        %dma_wait3A_174 = tpu.memref_squeeze %dma_wait3A_173 : memref<1x128xi32, #tpu.memory_space<vmem>> -> memref<128xi32, #tpu.memory_space<vmem>>
        %dma_wait3A_175 = arith.constant 0 : i32
        %dma_wait3A_176 = arith.constant 0 : i32
        %dma_wait3A_177 = tpu.memref_slice %arg2[%dma_wait3A_175, %dma_wait3A_176] : memref<110000x16xf32, #tpu.memory_space<hbm>> -> memref<110000x16xf32, #tpu.memory_space<hbm>>
        tpu.wait_indirect_dma semaphore(%arg15 : memref<!tpu.dma_semaphore, #tpu.memory_space<semaphore_mem>>) src(%dma_wait3A_177 : memref<110000x16xf32, #tpu.memory_space<hbm>>) dst(%dma_wait3A_171 : memref<128x16xf32, #tpu.memory_space<vmem>>)
        %dma_wait3A_178 = arith.constant 2 : i32
        %dma_wait3A_179 = arith.constant 2 : i32
        %dma_wait3A_180 = arith.constant 0 : i32
        %dma_wait3A_181 = arith.constant 0 : i32
        %dma_wait3A_182 = tpu.memref_slice %arg11[%dma_wait3A_179, %dma_wait3A_180, %dma_wait3A_181] : memref<4x128x16xf32, #tpu.memory_space<vmem>> -> memref<1x128x16xf32, #tpu.memory_space<vmem>>
        %dma_wait3A_183 = tpu.memref_squeeze %dma_wait3A_182 : memref<1x128x16xf32, #tpu.memory_space<vmem>> -> memref<128x16xf32, #tpu.memory_space<vmem>>
        %dma_wait3A_184 = arith.constant 0 : i32
        %dma_wait3A_185 = tpu.memref_slice %arg7[%dma_wait3A_178, %dma_wait3A_184] : memref<4x128xi32, #tpu.memory_space<vmem>> -> memref<1x128xi32, #tpu.memory_space<vmem>>
        %dma_wait3A_186 = tpu.memref_squeeze %dma_wait3A_185 : memref<1x128xi32, #tpu.memory_space<vmem>> -> memref<128xi32, #tpu.memory_space<vmem>>
        %dma_wait3A_187 = arith.constant 0 : i32
        %dma_wait3A_188 = arith.constant 0 : i32
        %dma_wait3A_189 = tpu.memref_slice %arg2[%dma_wait3A_187, %dma_wait3A_188] : memref<110000x16xf32, #tpu.memory_space<hbm>> -> memref<110000x16xf32, #tpu.memory_space<hbm>>
        tpu.wait_indirect_dma semaphore(%arg15 : memref<!tpu.dma_semaphore, #tpu.memory_space<semaphore_mem>>) src(%dma_wait3A_189 : memref<110000x16xf32, #tpu.memory_space<hbm>>) dst(%dma_wait3A_183 : memref<128x16xf32, #tpu.memory_space<vmem>>)
        %dma_wait3A_190 = arith.constant 3 : i32
        %dma_wait3A_191 = arith.constant 3 : i32
        %dma_wait3A_192 = arith.constant 0 : i32
        %dma_wait3A_193 = arith.constant 0 : i32
        %dma_wait3A_194 = tpu.memref_slice %arg11[%dma_wait3A_191, %dma_wait3A_192, %dma_wait3A_193] : memref<4x128x16xf32, #tpu.memory_space<vmem>> -> memref<1x128x16xf32, #tpu.memory_space<vmem>>
        %dma_wait3A_195 = tpu.memref_squeeze %dma_wait3A_194 : memref<1x128x16xf32, #tpu.memory_space<vmem>> -> memref<128x16xf32, #tpu.memory_space<vmem>>
        %dma_wait3A_196 = arith.constant 0 : i32
        %dma_wait3A_197 = tpu.memref_slice %arg7[%dma_wait3A_190, %dma_wait3A_196] : memref<4x128xi32, #tpu.memory_space<vmem>> -> memref<1x128xi32, #tpu.memory_space<vmem>>
        %dma_wait3A_198 = tpu.memref_squeeze %dma_wait3A_197 : memref<1x128xi32, #tpu.memory_space<vmem>> -> memref<128xi32, #tpu.memory_space<vmem>>
        %dma_wait3A_199 = arith.constant 0 : i32
        %dma_wait3A_200 = arith.constant 0 : i32
        %dma_wait3A_201 = tpu.memref_slice %arg2[%dma_wait3A_199, %dma_wait3A_200] : memref<110000x16xf32, #tpu.memory_space<hbm>> -> memref<110000x16xf32, #tpu.memory_space<hbm>>
        tpu.wait_indirect_dma semaphore(%arg15 : memref<!tpu.dma_semaphore, #tpu.memory_space<semaphore_mem>>) src(%dma_wait3A_201 : memref<110000x16xf32, #tpu.memory_space<hbm>>) dst(%dma_wait3A_195 : memref<128x16xf32, #tpu.memory_space<vmem>>)
        %add3A_202 = arith.constant 1 : i32
        %add3A_203 = arith.addi %scan3A_142, %add3A_202 : i32
        %lt3A = arith.constant 220 : i32
        %lt3A_204 = arith.cmpi slt, %add3A_203, %lt3A : i32
        %convert_element_type3A_205 = arith.extui %lt3A_204 : i1 to i32
        %cond3A_206 = arith.constant 0 : i32
        %cond3A_207 = arith.cmpi ne, %convert_element_type3A_205, %cond3A_206 : i32
        scf.if %cond3A_207 {
          %dma_wait3A_311 = arith.constant 0 : i32
          %dma_wait3A_312 = arith.constant 0 : i32
          %dma_wait3A_313 = tpu.memref_slice %arg3[%dma_wait3A_311, %dma_wait3A_312] : memref<28160x128xi32, #tpu.memory_space<hbm>> -> memref<4x128xi32, #tpu.memory_space<hbm>>
          %dma_wait3A_314 = arith.constant 0 : i32
          %dma_wait3A_315 = arith.constant 0 : i32
          %dma_wait3A_316 = tpu.memref_slice %arg3[%dma_wait3A_314, %dma_wait3A_315] : memref<28160x128xi32, #tpu.memory_space<hbm>> -> memref<4x128xi32, #tpu.memory_space<hbm>>
          tpu.wait_dma2 semaphore(%arg14 : memref<!tpu.dma_semaphore, #tpu.memory_space<semaphore_mem>>) src(%dma_wait3A_316 : memref<4x128xi32, #tpu.memory_space<hbm>>) dst(%arg9 : memref<4x128xi32, #tpu.memory_space<vmem>>)
          %dma_wait3A_317 = arith.constant 0 : i32
          %dma_wait3A_318 = arith.constant 0 : i32
          %dma_wait3A_319 = tpu.memref_slice %arg4[%dma_wait3A_317, %dma_wait3A_318] : memref<28160x128xi32, #tpu.memory_space<hbm>> -> memref<4x128xi32, #tpu.memory_space<hbm>>
          %dma_wait3A_320 = arith.constant 0 : i32
          %dma_wait3A_321 = arith.constant 0 : i32
          %dma_wait3A_322 = tpu.memref_slice %arg4[%dma_wait3A_320, %dma_wait3A_321] : memref<28160x128xi32, #tpu.memory_space<hbm>> -> memref<4x128xi32, #tpu.memory_space<hbm>>
          tpu.wait_dma2 semaphore(%arg14 : memref<!tpu.dma_semaphore, #tpu.memory_space<semaphore_mem>>) src(%dma_wait3A_322 : memref<4x128xi32, #tpu.memory_space<hbm>>) dst(%arg10 : memref<4x128xi32, #tpu.memory_space<vmem>>)
          %dma_start3A_323 = arith.constant 0 : i32
          %dma_start3A_324 = arith.constant 0 : i32
          %dma_start3A_325 = arith.constant 0 : i32
          %dma_start3A_326 = arith.constant 0 : i32
          %dma_start3A_327 = tpu.memref_slice %arg12[%dma_start3A_324, %dma_start3A_325, %dma_start3A_326] : memref<4x128x16xf32, #tpu.memory_space<vmem>> -> memref<1x128x16xf32, #tpu.memory_space<vmem>>
          %dma_start3A_328 = tpu.memref_squeeze %dma_start3A_327 : memref<1x128x16xf32, #tpu.memory_space<vmem>> -> memref<128x16xf32, #tpu.memory_space<vmem>>
          %dma_start3A_329 = arith.constant 0 : i32
          %dma_start3A_330 = tpu.memref_slice %arg9[%dma_start3A_323, %dma_start3A_329] : memref<4x128xi32, #tpu.memory_space<vmem>> -> memref<1x128xi32, #tpu.memory_space<vmem>>
          %dma_start3A_331 = tpu.memref_squeeze %dma_start3A_330 : memref<1x128xi32, #tpu.memory_space<vmem>> -> memref<128xi32, #tpu.memory_space<vmem>>
          %dma_start3A_332 = arith.constant 0 : i32
          %dma_start3A_333 = arith.constant 0 : i32
          %dma_start3A_334 = tpu.memref_slice %arg2[%dma_start3A_332, %dma_start3A_333] : memref<110000x16xf32, #tpu.memory_space<hbm>> -> memref<110000x16xf32, #tpu.memory_space<hbm>>
          tpu.enqueue_indirect_dma source(%dma_start3A_334 : memref<110000x16xf32, #tpu.memory_space<hbm>>) target(%dma_start3A_328 : memref<128x16xf32, #tpu.memory_space<vmem>>) offsets(%dma_start3A_331 : memref<128xi32, #tpu.memory_space<vmem>>) semaphore(%arg15 : memref<!tpu.dma_semaphore, #tpu.memory_space<semaphore_mem>>)
          %dma_start3A_335 = arith.constant 1 : i32
          %dma_start3A_336 = arith.constant 1 : i32
          %dma_start3A_337 = arith.constant 0 : i32
          %dma_start3A_338 = arith.constant 0 : i32
          %dma_start3A_339 = tpu.memref_slice %arg12[%dma_start3A_336, %dma_start3A_337, %dma_start3A_338] : memref<4x128x16xf32, #tpu.memory_space<vmem>> -> memref<1x128x16xf32, #tpu.memory_space<vmem>>
          %dma_start3A_340 = tpu.memref_squeeze %dma_start3A_339 : memref<1x128x16xf32, #tpu.memory_space<vmem>> -> memref<128x16xf32, #tpu.memory_space<vmem>>
          %dma_start3A_341 = arith.constant 0 : i32
          %dma_start3A_342 = tpu.memref_slice %arg9[%dma_start3A_335, %dma_start3A_341] : memref<4x128xi32, #tpu.memory_space<vmem>> -> memref<1x128xi32, #tpu.memory_space<vmem>>
          %dma_start3A_343 = tpu.memref_squeeze %dma_start3A_342 : memref<1x128xi32, #tpu.memory_space<vmem>> -> memref<128xi32, #tpu.memory_space<vmem>>
          %dma_start3A_344 = arith.constant 0 : i32
          %dma_start3A_345 = arith.constant 0 : i32
          %dma_start3A_346 = tpu.memref_slice %arg2[%dma_start3A_344, %dma_start3A_345] : memref<110000x16xf32, #tpu.memory_space<hbm>> -> memref<110000x16xf32, #tpu.memory_space<hbm>>
          tpu.enqueue_indirect_dma source(%dma_start3A_346 : memref<110000x16xf32, #tpu.memory_space<hbm>>) target(%dma_start3A_340 : memref<128x16xf32, #tpu.memory_space<vmem>>) offsets(%dma_start3A_343 : memref<128xi32, #tpu.memory_space<vmem>>) semaphore(%arg15 : memref<!tpu.dma_semaphore, #tpu.memory_space<semaphore_mem>>)
          %dma_start3A_347 = arith.constant 2 : i32
          %dma_start3A_348 = arith.constant 2 : i32
          %dma_start3A_349 = arith.constant 0 : i32
          %dma_start3A_350 = arith.constant 0 : i32
          %dma_start3A_351 = tpu.memref_slice %arg12[%dma_start3A_348, %dma_start3A_349, %dma_start3A_350] : memref<4x128x16xf32, #tpu.memory_space<vmem>> -> memref<1x128x16xf32, #tpu.memory_space<vmem>>
          %dma_start3A_352 = tpu.memref_squeeze %dma_start3A_351 : memref<1x128x16xf32, #tpu.memory_space<vmem>> -> memref<128x16xf32, #tpu.memory_space<vmem>>
          %dma_start3A_353 = arith.constant 0 : i32
          %dma_start3A_354 = tpu.memref_slice %arg9[%dma_start3A_347, %dma_start3A_353] : memref<4x128xi32, #tpu.memory_space<vmem>> -> memref<1x128xi32, #tpu.memory_space<vmem>>
          %dma_start3A_355 = tpu.memref_squeeze %dma_start3A_354 : memref<1x128xi32, #tpu.memory_space<vmem>> -> memref<128xi32, #tpu.memory_space<vmem>>
          %dma_start3A_356 = arith.constant 0 : i32
          %dma_start3A_357 = arith.constant 0 : i32
          %dma_start3A_358 = tpu.memref_slice %arg2[%dma_start3A_356, %dma_start3A_357] : memref<110000x16xf32, #tpu.memory_space<hbm>> -> memref<110000x16xf32, #tpu.memory_space<hbm>>
          tpu.enqueue_indirect_dma source(%dma_start3A_358 : memref<110000x16xf32, #tpu.memory_space<hbm>>) target(%dma_start3A_352 : memref<128x16xf32, #tpu.memory_space<vmem>>) offsets(%dma_start3A_355 : memref<128xi32, #tpu.memory_space<vmem>>) semaphore(%arg15 : memref<!tpu.dma_semaphore, #tpu.memory_space<semaphore_mem>>)
          %dma_start3A_359 = arith.constant 3 : i32
          %dma_start3A_360 = arith.constant 3 : i32
          %dma_start3A_361 = arith.constant 0 : i32
          %dma_start3A_362 = arith.constant 0 : i32
          %dma_start3A_363 = tpu.memref_slice %arg12[%dma_start3A_360, %dma_start3A_361, %dma_start3A_362] : memref<4x128x16xf32, #tpu.memory_space<vmem>> -> memref<1x128x16xf32, #tpu.memory_space<vmem>>
          %dma_start3A_364 = tpu.memref_squeeze %dma_start3A_363 : memref<1x128x16xf32, #tpu.memory_space<vmem>> -> memref<128x16xf32, #tpu.memory_space<vmem>>
          %dma_start3A_365 = arith.constant 0 : i32
          %dma_start3A_366 = tpu.memref_slice %arg9[%dma_start3A_359, %dma_start3A_365] : memref<4x128xi32, #tpu.memory_space<vmem>> -> memref<1x128xi32, #tpu.memory_space<vmem>>
          %dma_start3A_367 = tpu.memref_squeeze %dma_start3A_366 : memref<1x128xi32, #tpu.memory_space<vmem>> -> memref<128xi32, #tpu.memory_space<vmem>>
          %dma_start3A_368 = arith.constant 0 : i32
          %dma_start3A_369 = arith.constant 0 : i32
          %dma_start3A_370 = tpu.memref_slice %arg2[%dma_start3A_368, %dma_start3A_369] : memref<110000x16xf32, #tpu.memory_space<hbm>> -> memref<110000x16xf32, #tpu.memory_space<hbm>>
          tpu.enqueue_indirect_dma source(%dma_start3A_370 : memref<110000x16xf32, #tpu.memory_space<hbm>>) target(%dma_start3A_364 : memref<128x16xf32, #tpu.memory_space<vmem>>) offsets(%dma_start3A_367 : memref<128xi32, #tpu.memory_space<vmem>>) semaphore(%arg15 : memref<!tpu.dma_semaphore, #tpu.memory_space<semaphore_mem>>)
        } else {
        }
        %dma_start3A_208 = arith.constant 0 : i32
        %dma_start3A_209 = arith.constant 0 : i32
        %dma_start3A_210 = arith.constant 0 : i32
        %dma_start3A_211 = arith.constant 0 : i32
        %dma_start3A_212 = tpu.memref_slice %arg11[%dma_start3A_208, %dma_start3A_210, %dma_start3A_211] : memref<4x128x16xf32, #tpu.memory_space<vmem>> -> memref<1x128x16xf32, #tpu.memory_space<vmem>>
        %dma_start3A_213 = tpu.memref_squeeze %dma_start3A_212 : memref<1x128x16xf32, #tpu.memory_space<vmem>> -> memref<128x16xf32, #tpu.memory_space<vmem>>
        %dma_start3A_214 = arith.constant 0 : i32
        %dma_start3A_215 = tpu.memref_slice %arg8[%dma_start3A_209, %dma_start3A_214] : memref<4x128xi32, #tpu.memory_space<vmem>> -> memref<1x128xi32, #tpu.memory_space<vmem>>
        %dma_start3A_216 = tpu.memref_squeeze %dma_start3A_215 : memref<1x128xi32, #tpu.memory_space<vmem>> -> memref<128xi32, #tpu.memory_space<vmem>>
        %dma_start3A_217 = arith.constant 0 : i32
        %dma_start3A_218 = arith.constant 0 : i32
        %dma_start3A_219 = tpu.memref_slice %arg6[%dma_start3A_217, %dma_start3A_218] : memref<100096x16xf32, #tpu.memory_space<vmem_shared>> -> memref<100096x16xf32, #tpu.memory_space<vmem_shared>>
        tpu.enqueue_indirect_dma source(%dma_start3A_213 : memref<128x16xf32, #tpu.memory_space<vmem>>) target(%dma_start3A_219 : memref<100096x16xf32, #tpu.memory_space<vmem_shared>>) offsets(%dma_start3A_216 : memref<128xi32, #tpu.memory_space<vmem>>) semaphore(%arg16 : memref<!tpu.dma_semaphore, #tpu.memory_space<semaphore_mem>>) {add = true}
        %dma_start3A_220 = arith.constant 1 : i32
        %dma_start3A_221 = arith.constant 1 : i32
        %dma_start3A_222 = arith.constant 0 : i32
        %dma_start3A_223 = arith.constant 0 : i32
        %dma_start3A_224 = tpu.memref_slice %arg11[%dma_start3A_220, %dma_start3A_222, %dma_start3A_223] : memref<4x128x16xf32, #tpu.memory_space<vmem>> -> memref<1x128x16xf32, #tpu.memory_space<vmem>>
        %dma_start3A_225 = tpu.memref_squeeze %dma_start3A_224 : memref<1x128x16xf32, #tpu.memory_space<vmem>> -> memref<128x16xf32, #tpu.memory_space<vmem>>
        %dma_start3A_226 = arith.constant 0 : i32
        %dma_start3A_227 = tpu.memref_slice %arg8[%dma_start3A_221, %dma_start3A_226] : memref<4x128xi32, #tpu.memory_space<vmem>> -> memref<1x128xi32, #tpu.memory_space<vmem>>
        %dma_start3A_228 = tpu.memref_squeeze %dma_start3A_227 : memref<1x128xi32, #tpu.memory_space<vmem>> -> memref<128xi32, #tpu.memory_space<vmem>>
        %dma_start3A_229 = arith.constant 0 : i32
        %dma_start3A_230 = arith.constant 0 : i32
        %dma_start3A_231 = tpu.memref_slice %arg6[%dma_start3A_229, %dma_start3A_230] : memref<100096x16xf32, #tpu.memory_space<vmem_shared>> -> memref<100096x16xf32, #tpu.memory_space<vmem_shared>>
        tpu.enqueue_indirect_dma source(%dma_start3A_225 : memref<128x16xf32, #tpu.memory_space<vmem>>) target(%dma_start3A_231 : memref<100096x16xf32, #tpu.memory_space<vmem_shared>>) offsets(%dma_start3A_228 : memref<128xi32, #tpu.memory_space<vmem>>) semaphore(%arg16 : memref<!tpu.dma_semaphore, #tpu.memory_space<semaphore_mem>>) {add = true}
        %dma_start3A_232 = arith.constant 2 : i32
        %dma_start3A_233 = arith.constant 2 : i32
        %dma_start3A_234 = arith.constant 0 : i32
        %dma_start3A_235 = arith.constant 0 : i32
        %dma_start3A_236 = tpu.memref_slice %arg11[%dma_start3A_232, %dma_start3A_234, %dma_start3A_235] : memref<4x128x16xf32, #tpu.memory_space<vmem>> -> memref<1x128x16xf32, #tpu.memory_space<vmem>>
        %dma_start3A_237 = tpu.memref_squeeze %dma_start3A_236 : memref<1x128x16xf32, #tpu.memory_space<vmem>> -> memref<128x16xf32, #tpu.memory_space<vmem>>
        %dma_start3A_238 = arith.constant 0 : i32
        %dma_start3A_239 = tpu.memref_slice %arg8[%dma_start3A_233, %dma_start3A_238] : memref<4x128xi32, #tpu.memory_space<vmem>> -> memref<1x128xi32, #tpu.memory_space<vmem>>
        %dma_start3A_240 = tpu.memref_squeeze %dma_start3A_239 : memref<1x128xi32, #tpu.memory_space<vmem>> -> memref<128xi32, #tpu.memory_space<vmem>>
        %dma_start3A_241 = arith.constant 0 : i32
        %dma_start3A_242 = arith.constant 0 : i32
        %dma_start3A_243 = tpu.memref_slice %arg6[%dma_start3A_241, %dma_start3A_242] : memref<100096x16xf32, #tpu.memory_space<vmem_shared>> -> memref<100096x16xf32, #tpu.memory_space<vmem_shared>>
        tpu.enqueue_indirect_dma source(%dma_start3A_237 : memref<128x16xf32, #tpu.memory_space<vmem>>) target(%dma_start3A_243 : memref<100096x16xf32, #tpu.memory_space<vmem_shared>>) offsets(%dma_start3A_240 : memref<128xi32, #tpu.memory_space<vmem>>) semaphore(%arg16 : memref<!tpu.dma_semaphore, #tpu.memory_space<semaphore_mem>>) {add = true}
        %dma_start3A_244 = arith.constant 3 : i32
        %dma_start3A_245 = arith.constant 3 : i32
        %dma_start3A_246 = arith.constant 0 : i32
        %dma_start3A_247 = arith.constant 0 : i32
        %dma_start3A_248 = tpu.memref_slice %arg11[%dma_start3A_244, %dma_start3A_246, %dma_start3A_247] : memref<4x128x16xf32, #tpu.memory_space<vmem>> -> memref<1x128x16xf32, #tpu.memory_space<vmem>>
        %dma_start3A_249 = tpu.memref_squeeze %dma_start3A_248 : memref<1x128x16xf32, #tpu.memory_space<vmem>> -> memref<128x16xf32, #tpu.memory_space<vmem>>
        %dma_start3A_250 = arith.constant 0 : i32
        %dma_start3A_251 = tpu.memref_slice %arg8[%dma_start3A_245, %dma_start3A_250] : memref<4x128xi32, #tpu.memory_space<vmem>> -> memref<1x128xi32, #tpu.memory_space<vmem>>
        %dma_start3A_252 = tpu.memref_squeeze %dma_start3A_251 : memref<1x128xi32, #tpu.memory_space<vmem>> -> memref<128xi32, #tpu.memory_space<vmem>>
        %dma_start3A_253 = arith.constant 0 : i32
        %dma_start3A_254 = arith.constant 0 : i32
        %dma_start3A_255 = tpu.memref_slice %arg6[%dma_start3A_253, %dma_start3A_254] : memref<100096x16xf32, #tpu.memory_space<vmem_shared>> -> memref<100096x16xf32, #tpu.memory_space<vmem_shared>>
        tpu.enqueue_indirect_dma source(%dma_start3A_249 : memref<128x16xf32, #tpu.memory_space<vmem>>) target(%dma_start3A_255 : memref<100096x16xf32, #tpu.memory_space<vmem_shared>>) offsets(%dma_start3A_252 : memref<128xi32, #tpu.memory_space<vmem>>) semaphore(%arg16 : memref<!tpu.dma_semaphore, #tpu.memory_space<semaphore_mem>>) {add = true}
        %dma_wait3A_256 = arith.constant 0 : i32
        %dma_wait3A_257 = arith.constant 0 : i32
        %dma_wait3A_258 = arith.constant 0 : i32
        %dma_wait3A_259 = arith.constant 0 : i32
        %dma_wait3A_260 = tpu.memref_slice %arg11[%dma_wait3A_256, %dma_wait3A_258, %dma_wait3A_259] : memref<4x128x16xf32, #tpu.memory_space<vmem>> -> memref<1x128x16xf32, #tpu.memory_space<vmem>>
        %dma_wait3A_261 = tpu.memref_squeeze %dma_wait3A_260 : memref<1x128x16xf32, #tpu.memory_space<vmem>> -> memref<128x16xf32, #tpu.memory_space<vmem>>
        %dma_wait3A_262 = arith.constant 0 : i32
        %dma_wait3A_263 = tpu.memref_slice %arg8[%dma_wait3A_257, %dma_wait3A_262] : memref<4x128xi32, #tpu.memory_space<vmem>> -> memref<1x128xi32, #tpu.memory_space<vmem>>
        %dma_wait3A_264 = tpu.memref_squeeze %dma_wait3A_263 : memref<1x128xi32, #tpu.memory_space<vmem>> -> memref<128xi32, #tpu.memory_space<vmem>>
        %dma_wait3A_265 = arith.constant 0 : i32
        %dma_wait3A_266 = arith.constant 0 : i32
        %dma_wait3A_267 = tpu.memref_slice %arg6[%dma_wait3A_265, %dma_wait3A_266] : memref<100096x16xf32, #tpu.memory_space<vmem_shared>> -> memref<100096x16xf32, #tpu.memory_space<vmem_shared>>
        tpu.wait_indirect_dma semaphore(%arg16 : memref<!tpu.dma_semaphore, #tpu.memory_space<semaphore_mem>>) src(%dma_wait3A_261 : memref<128x16xf32, #tpu.memory_space<vmem>>) dst(%dma_wait3A_267 : memref<100096x16xf32, #tpu.memory_space<vmem_shared>>)
        %dma_wait3A_268 = arith.constant 1 : i32
        %dma_wait3A_269 = arith.constant 1 : i32
        %dma_wait3A_270 = arith.constant 0 : i32
        %dma_wait3A_271 = arith.constant 0 : i32
        %dma_wait3A_272 = tpu.memref_slice %arg11[%dma_wait3A_268, %dma_wait3A_270, %dma_wait3A_271] : memref<4x128x16xf32, #tpu.memory_space<vmem>> -> memref<1x128x16xf32, #tpu.memory_space<vmem>>
        %dma_wait3A_273 = tpu.memref_squeeze %dma_wait3A_272 : memref<1x128x16xf32, #tpu.memory_space<vmem>> -> memref<128x16xf32, #tpu.memory_space<vmem>>
        %dma_wait3A_274 = arith.constant 0 : i32
        %dma_wait3A_275 = tpu.memref_slice %arg8[%dma_wait3A_269, %dma_wait3A_274] : memref<4x128xi32, #tpu.memory_space<vmem>> -> memref<1x128xi32, #tpu.memory_space<vmem>>
        %dma_wait3A_276 = tpu.memref_squeeze %dma_wait3A_275 : memref<1x128xi32, #tpu.memory_space<vmem>> -> memref<128xi32, #tpu.memory_space<vmem>>
        %dma_wait3A_277 = arith.constant 0 : i32
        %dma_wait3A_278 = arith.constant 0 : i32
        %dma_wait3A_279 = tpu.memref_slice %arg6[%dma_wait3A_277, %dma_wait3A_278] : memref<100096x16xf32, #tpu.memory_space<vmem_shared>> -> memref<100096x16xf32, #tpu.memory_space<vmem_shared>>
        tpu.wait_indirect_dma semaphore(%arg16 : memref<!tpu.dma_semaphore, #tpu.memory_space<semaphore_mem>>) src(%dma_wait3A_273 : memref<128x16xf32, #tpu.memory_space<vmem>>) dst(%dma_wait3A_279 : memref<100096x16xf32, #tpu.memory_space<vmem_shared>>)
        %dma_wait3A_280 = arith.constant 2 : i32
        %dma_wait3A_281 = arith.constant 2 : i32
        %dma_wait3A_282 = arith.constant 0 : i32
        %dma_wait3A_283 = arith.constant 0 : i32
        %dma_wait3A_284 = tpu.memref_slice %arg11[%dma_wait3A_280, %dma_wait3A_282, %dma_wait3A_283] : memref<4x128x16xf32, #tpu.memory_space<vmem>> -> memref<1x128x16xf32, #tpu.memory_space<vmem>>
        %dma_wait3A_285 = tpu.memref_squeeze %dma_wait3A_284 : memref<1x128x16xf32, #tpu.memory_space<vmem>> -> memref<128x16xf32, #tpu.memory_space<vmem>>
        %dma_wait3A_286 = arith.constant 0 : i32
        %dma_wait3A_287 = tpu.memref_slice %arg8[%dma_wait3A_281, %dma_wait3A_286] : memref<4x128xi32, #tpu.memory_space<vmem>> -> memref<1x128xi32, #tpu.memory_space<vmem>>
        %dma_wait3A_288 = tpu.memref_squeeze %dma_wait3A_287 : memref<1x128xi32, #tpu.memory_space<vmem>> -> memref<128xi32, #tpu.memory_space<vmem>>
        %dma_wait3A_289 = arith.constant 0 : i32
        %dma_wait3A_290 = arith.constant 0 : i32
        %dma_wait3A_291 = tpu.memref_slice %arg6[%dma_wait3A_289, %dma_wait3A_290] : memref<100096x16xf32, #tpu.memory_space<vmem_shared>> -> memref<100096x16xf32, #tpu.memory_space<vmem_shared>>
        tpu.wait_indirect_dma semaphore(%arg16 : memref<!tpu.dma_semaphore, #tpu.memory_space<semaphore_mem>>) src(%dma_wait3A_285 : memref<128x16xf32, #tpu.memory_space<vmem>>) dst(%dma_wait3A_291 : memref<100096x16xf32, #tpu.memory_space<vmem_shared>>)
        %dma_wait3A_292 = arith.constant 3 : i32
        %dma_wait3A_293 = arith.constant 3 : i32
        %dma_wait3A_294 = arith.constant 0 : i32
        %dma_wait3A_295 = arith.constant 0 : i32
        %dma_wait3A_296 = tpu.memref_slice %arg11[%dma_wait3A_292, %dma_wait3A_294, %dma_wait3A_295] : memref<4x128x16xf32, #tpu.memory_space<vmem>> -> memref<1x128x16xf32, #tpu.memory_space<vmem>>
        %dma_wait3A_297 = tpu.memref_squeeze %dma_wait3A_296 : memref<1x128x16xf32, #tpu.memory_space<vmem>> -> memref<128x16xf32, #tpu.memory_space<vmem>>
        %dma_wait3A_298 = arith.constant 0 : i32
        %dma_wait3A_299 = tpu.memref_slice %arg8[%dma_wait3A_293, %dma_wait3A_298] : memref<4x128xi32, #tpu.memory_space<vmem>> -> memref<1x128xi32, #tpu.memory_space<vmem>>
        %dma_wait3A_300 = tpu.memref_squeeze %dma_wait3A_299 : memref<1x128xi32, #tpu.memory_space<vmem>> -> memref<128xi32, #tpu.memory_space<vmem>>
        %dma_wait3A_301 = arith.constant 0 : i32
        %dma_wait3A_302 = arith.constant 0 : i32
        %dma_wait3A_303 = tpu.memref_slice %arg6[%dma_wait3A_301, %dma_wait3A_302] : memref<100096x16xf32, #tpu.memory_space<vmem_shared>> -> memref<100096x16xf32, #tpu.memory_space<vmem_shared>>
        tpu.wait_indirect_dma semaphore(%arg16 : memref<!tpu.dma_semaphore, #tpu.memory_space<semaphore_mem>>) src(%dma_wait3A_297 : memref<128x16xf32, #tpu.memory_space<vmem>>) dst(%dma_wait3A_303 : memref<100096x16xf32, #tpu.memory_space<vmem_shared>>)
        %add3A_304 = arith.constant 2 : i32
        %add3A_305 = arith.addi %scan3A_142, %add3A_304 : i32
        %lt3A_306 = arith.constant 220 : i32
        %lt3A_307 = arith.cmpi slt, %add3A_305, %lt3A_306 : i32
        %convert_element_type3A_308 = arith.extui %lt3A_307 : i1 to i32
        %cond3A_309 = arith.constant 0 : i32
        %cond3A_310 = arith.cmpi ne, %convert_element_type3A_308, %cond3A_309 : i32
        scf.if %cond3A_310 {
          %add3A_311 = arith.constant 2 : i32
          %add3A_312 = arith.addi %scan3A_142, %add3A_311 : i32
          %mul3A_313 = arith.constant 4 : i32
          %mul3A_314 = arith.muli %add3A_312, %mul3A_313 : i32
          %add3A_315 = arith.addi %mul3A_2, %mul3A_314 : i32
          %dma_start3A_316 = arith.constant 0 : i32
          %dma_start3A_317 = tpu.memref_slice %arg3[%add3A_315, %dma_start3A_316] : memref<28160x128xi32, #tpu.memory_space<hbm>> -> memref<4x128xi32, #tpu.memory_space<hbm>>
          %dma_start3A_318 = arith.constant 0 : i32
          %dma_start3A_319 = tpu.memref_slice %arg3[%add3A_315, %dma_start3A_318] : memref<28160x128xi32, #tpu.memory_space<hbm>> -> memref<4x128xi32, #tpu.memory_space<hbm>>
          tpu.enqueue_dma source(%dma_start3A_319 : memref<4x128xi32, #tpu.memory_space<hbm>>) target(%arg7 : memref<4x128xi32, #tpu.memory_space<vmem>>) target_semaphore(%arg14 : memref<!tpu.dma_semaphore, #tpu.memory_space<semaphore_mem>>)
          %dma_start3A_320 = arith.constant 0 : i32
          %dma_start3A_321 = tpu.memref_slice %arg4[%add3A_315, %dma_start3A_320] : memref<28160x128xi32, #tpu.memory_space<hbm>> -> memref<4x128xi32, #tpu.memory_space<hbm>>
          %dma_start3A_322 = arith.constant 0 : i32
          %dma_start3A_323 = tpu.memref_slice %arg4[%add3A_315, %dma_start3A_322] : memref<28160x128xi32, #tpu.memory_space<hbm>> -> memref<4x128xi32, #tpu.memory_space<hbm>>
          tpu.enqueue_dma source(%dma_start3A_323 : memref<4x128xi32, #tpu.memory_space<hbm>>) target(%arg8 : memref<4x128xi32, #tpu.memory_space<vmem>>) target_semaphore(%arg14 : memref<!tpu.dma_semaphore, #tpu.memory_space<semaphore_mem>>)
        } else {
        }
      } else {
      }
      %rem3A_147 = arith.constant 2 : i32
      %rem3A_148 = arith.remsi %scan3A_142, %rem3A_147 : i32
      %eq3A_149 = arith.constant 1 : i32
      %eq3A_150 = arith.cmpi eq, %rem3A_148, %eq3A_149 : i32
      %convert_element_type3A_151 = arith.extui %eq3A_150 : i1 to i32
      %cond3A_152 = arith.constant 0 : i32
      %cond3A_153 = arith.cmpi ne, %convert_element_type3A_151, %cond3A_152 : i32
      scf.if %cond3A_153 {
        %dma_wait3A = arith.constant 0 : i32
        %dma_wait3A_155 = arith.constant 0 : i32
        %dma_wait3A_156 = arith.constant 0 : i32
        %dma_wait3A_157 = arith.constant 0 : i32
        %dma_wait3A_158 = tpu.memref_slice %arg12[%dma_wait3A_155, %dma_wait3A_156, %dma_wait3A_157] : memref<4x128x16xf32, #tpu.memory_space<vmem>> -> memref<1x128x16xf32, #tpu.memory_space<vmem>>
        %dma_wait3A_159 = tpu.memref_squeeze %dma_wait3A_158 : memref<1x128x16xf32, #tpu.memory_space<vmem>> -> memref<128x16xf32, #tpu.memory_space<vmem>>
        %dma_wait3A_160 = arith.constant 0 : i32
        %dma_wait3A_161 = tpu.memref_slice %arg9[%dma_wait3A, %dma_wait3A_160] : memref<4x128xi32, #tpu.memory_space<vmem>> -> memref<1x128xi32, #tpu.memory_space<vmem>>
        %dma_wait3A_162 = tpu.memref_squeeze %dma_wait3A_161 : memref<1x128xi32, #tpu.memory_space<vmem>> -> memref<128xi32, #tpu.memory_space<vmem>>
        %dma_wait3A_163 = arith.constant 0 : i32
        %dma_wait3A_164 = arith.constant 0 : i32
        %dma_wait3A_165 = tpu.memref_slice %arg2[%dma_wait3A_163, %dma_wait3A_164] : memref<110000x16xf32, #tpu.memory_space<hbm>> -> memref<110000x16xf32, #tpu.memory_space<hbm>>
        tpu.wait_indirect_dma semaphore(%arg15 : memref<!tpu.dma_semaphore, #tpu.memory_space<semaphore_mem>>) src(%dma_wait3A_165 : memref<110000x16xf32, #tpu.memory_space<hbm>>) dst(%dma_wait3A_159 : memref<128x16xf32, #tpu.memory_space<vmem>>)
        %dma_wait3A_166 = arith.constant 1 : i32
        %dma_wait3A_167 = arith.constant 1 : i32
        %dma_wait3A_168 = arith.constant 0 : i32
        %dma_wait3A_169 = arith.constant 0 : i32
        %dma_wait3A_170 = tpu.memref_slice %arg12[%dma_wait3A_167, %dma_wait3A_168, %dma_wait3A_169] : memref<4x128x16xf32, #tpu.memory_space<vmem>> -> memref<1x128x16xf32, #tpu.memory_space<vmem>>
        %dma_wait3A_171 = tpu.memref_squeeze %dma_wait3A_170 : memref<1x128x16xf32, #tpu.memory_space<vmem>> -> memref<128x16xf32, #tpu.memory_space<vmem>>
        %dma_wait3A_172 = arith.constant 0 : i32
        %dma_wait3A_173 = tpu.memref_slice %arg9[%dma_wait3A_166, %dma_wait3A_172] : memref<4x128xi32, #tpu.memory_space<vmem>> -> memref<1x128xi32, #tpu.memory_space<vmem>>
        %dma_wait3A_174 = tpu.memref_squeeze %dma_wait3A_173 : memref<1x128xi32, #tpu.memory_space<vmem>> -> memref<128xi32, #tpu.memory_space<vmem>>
        %dma_wait3A_175 = arith.constant 0 : i32
        %dma_wait3A_176 = arith.constant 0 : i32
        %dma_wait3A_177 = tpu.memref_slice %arg2[%dma_wait3A_175, %dma_wait3A_176] : memref<110000x16xf32, #tpu.memory_space<hbm>> -> memref<110000x16xf32, #tpu.memory_space<hbm>>
        tpu.wait_indirect_dma semaphore(%arg15 : memref<!tpu.dma_semaphore, #tpu.memory_space<semaphore_mem>>) src(%dma_wait3A_177 : memref<110000x16xf32, #tpu.memory_space<hbm>>) dst(%dma_wait3A_171 : memref<128x16xf32, #tpu.memory_space<vmem>>)
        %dma_wait3A_178 = arith.constant 2 : i32
        %dma_wait3A_179 = arith.constant 2 : i32
        %dma_wait3A_180 = arith.constant 0 : i32
        %dma_wait3A_181 = arith.constant 0 : i32
        %dma_wait3A_182 = tpu.memref_slice %arg12[%dma_wait3A_179, %dma_wait3A_180, %dma_wait3A_181] : memref<4x128x16xf32, #tpu.memory_space<vmem>> -> memref<1x128x16xf32, #tpu.memory_space<vmem>>
        %dma_wait3A_183 = tpu.memref_squeeze %dma_wait3A_182 : memref<1x128x16xf32, #tpu.memory_space<vmem>> -> memref<128x16xf32, #tpu.memory_space<vmem>>
        %dma_wait3A_184 = arith.constant 0 : i32
        %dma_wait3A_185 = tpu.memref_slice %arg9[%dma_wait3A_178, %dma_wait3A_184] : memref<4x128xi32, #tpu.memory_space<vmem>> -> memref<1x128xi32, #tpu.memory_space<vmem>>
        %dma_wait3A_186 = tpu.memref_squeeze %dma_wait3A_185 : memref<1x128xi32, #tpu.memory_space<vmem>> -> memref<128xi32, #tpu.memory_space<vmem>>
        %dma_wait3A_187 = arith.constant 0 : i32
        %dma_wait3A_188 = arith.constant 0 : i32
        %dma_wait3A_189 = tpu.memref_slice %arg2[%dma_wait3A_187, %dma_wait3A_188] : memref<110000x16xf32, #tpu.memory_space<hbm>> -> memref<110000x16xf32, #tpu.memory_space<hbm>>
        tpu.wait_indirect_dma semaphore(%arg15 : memref<!tpu.dma_semaphore, #tpu.memory_space<semaphore_mem>>) src(%dma_wait3A_189 : memref<110000x16xf32, #tpu.memory_space<hbm>>) dst(%dma_wait3A_183 : memref<128x16xf32, #tpu.memory_space<vmem>>)
        %dma_wait3A_190 = arith.constant 3 : i32
        %dma_wait3A_191 = arith.constant 3 : i32
        %dma_wait3A_192 = arith.constant 0 : i32
        %dma_wait3A_193 = arith.constant 0 : i32
        %dma_wait3A_194 = tpu.memref_slice %arg12[%dma_wait3A_191, %dma_wait3A_192, %dma_wait3A_193] : memref<4x128x16xf32, #tpu.memory_space<vmem>> -> memref<1x128x16xf32, #tpu.memory_space<vmem>>
        %dma_wait3A_195 = tpu.memref_squeeze %dma_wait3A_194 : memref<1x128x16xf32, #tpu.memory_space<vmem>> -> memref<128x16xf32, #tpu.memory_space<vmem>>
        %dma_wait3A_196 = arith.constant 0 : i32
        %dma_wait3A_197 = tpu.memref_slice %arg9[%dma_wait3A_190, %dma_wait3A_196] : memref<4x128xi32, #tpu.memory_space<vmem>> -> memref<1x128xi32, #tpu.memory_space<vmem>>
        %dma_wait3A_198 = tpu.memref_squeeze %dma_wait3A_197 : memref<1x128xi32, #tpu.memory_space<vmem>> -> memref<128xi32, #tpu.memory_space<vmem>>
        %dma_wait3A_199 = arith.constant 0 : i32
        %dma_wait3A_200 = arith.constant 0 : i32
        %dma_wait3A_201 = tpu.memref_slice %arg2[%dma_wait3A_199, %dma_wait3A_200] : memref<110000x16xf32, #tpu.memory_space<hbm>> -> memref<110000x16xf32, #tpu.memory_space<hbm>>
        tpu.wait_indirect_dma semaphore(%arg15 : memref<!tpu.dma_semaphore, #tpu.memory_space<semaphore_mem>>) src(%dma_wait3A_201 : memref<110000x16xf32, #tpu.memory_space<hbm>>) dst(%dma_wait3A_195 : memref<128x16xf32, #tpu.memory_space<vmem>>)
        %add3A_202 = arith.constant 1 : i32
        %add3A_203 = arith.addi %scan3A_142, %add3A_202 : i32
        %lt3A = arith.constant 220 : i32
        %lt3A_204 = arith.cmpi slt, %add3A_203, %lt3A : i32
        %convert_element_type3A_205 = arith.extui %lt3A_204 : i1 to i32
        %cond3A_206 = arith.constant 0 : i32
        %cond3A_207 = arith.cmpi ne, %convert_element_type3A_205, %cond3A_206 : i32
        scf.if %cond3A_207 {
          %dma_wait3A_311 = arith.constant 0 : i32
          %dma_wait3A_312 = arith.constant 0 : i32
          %dma_wait3A_313 = tpu.memref_slice %arg3[%dma_wait3A_311, %dma_wait3A_312] : memref<28160x128xi32, #tpu.memory_space<hbm>> -> memref<4x128xi32, #tpu.memory_space<hbm>>
          %dma_wait3A_314 = arith.constant 0 : i32
          %dma_wait3A_315 = arith.constant 0 : i32
          %dma_wait3A_316 = tpu.memref_slice %arg3[%dma_wait3A_314, %dma_wait3A_315] : memref<28160x128xi32, #tpu.memory_space<hbm>> -> memref<4x128xi32, #tpu.memory_space<hbm>>
          tpu.wait_dma2 semaphore(%arg14 : memref<!tpu.dma_semaphore, #tpu.memory_space<semaphore_mem>>) src(%dma_wait3A_316 : memref<4x128xi32, #tpu.memory_space<hbm>>) dst(%arg7 : memref<4x128xi32, #tpu.memory_space<vmem>>)
          %dma_wait3A_317 = arith.constant 0 : i32
          %dma_wait3A_318 = arith.constant 0 : i32
          %dma_wait3A_319 = tpu.memref_slice %arg4[%dma_wait3A_317, %dma_wait3A_318] : memref<28160x128xi32, #tpu.memory_space<hbm>> -> memref<4x128xi32, #tpu.memory_space<hbm>>
          %dma_wait3A_320 = arith.constant 0 : i32
          %dma_wait3A_321 = arith.constant 0 : i32
          %dma_wait3A_322 = tpu.memref_slice %arg4[%dma_wait3A_320, %dma_wait3A_321] : memref<28160x128xi32, #tpu.memory_space<hbm>> -> memref<4x128xi32, #tpu.memory_space<hbm>>
          tpu.wait_dma2 semaphore(%arg14 : memref<!tpu.dma_semaphore, #tpu.memory_space<semaphore_mem>>) src(%dma_wait3A_322 : memref<4x128xi32, #tpu.memory_space<hbm>>) dst(%arg8 : memref<4x128xi32, #tpu.memory_space<vmem>>)
          %dma_start3A_323 = arith.constant 0 : i32
          %dma_start3A_324 = arith.constant 0 : i32
          %dma_start3A_325 = arith.constant 0 : i32
          %dma_start3A_326 = arith.constant 0 : i32
          %dma_start3A_327 = tpu.memref_slice %arg11[%dma_start3A_324, %dma_start3A_325, %dma_start3A_326] : memref<4x128x16xf32, #tpu.memory_space<vmem>> -> memref<1x128x16xf32, #tpu.memory_space<vmem>>
          %dma_start3A_328 = tpu.memref_squeeze %dma_start3A_327 : memref<1x128x16xf32, #tpu.memory_space<vmem>> -> memref<128x16xf32, #tpu.memory_space<vmem>>
          %dma_start3A_329 = arith.constant 0 : i32
          %dma_start3A_330 = tpu.memref_slice %arg7[%dma_start3A_323, %dma_start3A_329] : memref<4x128xi32, #tpu.memory_space<vmem>> -> memref<1x128xi32, #tpu.memory_space<vmem>>
          %dma_start3A_331 = tpu.memref_squeeze %dma_start3A_330 : memref<1x128xi32, #tpu.memory_space<vmem>> -> memref<128xi32, #tpu.memory_space<vmem>>
          %dma_start3A_332 = arith.constant 0 : i32
          %dma_start3A_333 = arith.constant 0 : i32
          %dma_start3A_334 = tpu.memref_slice %arg2[%dma_start3A_332, %dma_start3A_333] : memref<110000x16xf32, #tpu.memory_space<hbm>> -> memref<110000x16xf32, #tpu.memory_space<hbm>>
          tpu.enqueue_indirect_dma source(%dma_start3A_334 : memref<110000x16xf32, #tpu.memory_space<hbm>>) target(%dma_start3A_328 : memref<128x16xf32, #tpu.memory_space<vmem>>) offsets(%dma_start3A_331 : memref<128xi32, #tpu.memory_space<vmem>>) semaphore(%arg15 : memref<!tpu.dma_semaphore, #tpu.memory_space<semaphore_mem>>)
          %dma_start3A_335 = arith.constant 1 : i32
          %dma_start3A_336 = arith.constant 1 : i32
          %dma_start3A_337 = arith.constant 0 : i32
          %dma_start3A_338 = arith.constant 0 : i32
          %dma_start3A_339 = tpu.memref_slice %arg11[%dma_start3A_336, %dma_start3A_337, %dma_start3A_338] : memref<4x128x16xf32, #tpu.memory_space<vmem>> -> memref<1x128x16xf32, #tpu.memory_space<vmem>>
          %dma_start3A_340 = tpu.memref_squeeze %dma_start3A_339 : memref<1x128x16xf32, #tpu.memory_space<vmem>> -> memref<128x16xf32, #tpu.memory_space<vmem>>
          %dma_start3A_341 = arith.constant 0 : i32
          %dma_start3A_342 = tpu.memref_slice %arg7[%dma_start3A_335, %dma_start3A_341] : memref<4x128xi32, #tpu.memory_space<vmem>> -> memref<1x128xi32, #tpu.memory_space<vmem>>
          %dma_start3A_343 = tpu.memref_squeeze %dma_start3A_342 : memref<1x128xi32, #tpu.memory_space<vmem>> -> memref<128xi32, #tpu.memory_space<vmem>>
          %dma_start3A_344 = arith.constant 0 : i32
          %dma_start3A_345 = arith.constant 0 : i32
          %dma_start3A_346 = tpu.memref_slice %arg2[%dma_start3A_344, %dma_start3A_345] : memref<110000x16xf32, #tpu.memory_space<hbm>> -> memref<110000x16xf32, #tpu.memory_space<hbm>>
          tpu.enqueue_indirect_dma source(%dma_start3A_346 : memref<110000x16xf32, #tpu.memory_space<hbm>>) target(%dma_start3A_340 : memref<128x16xf32, #tpu.memory_space<vmem>>) offsets(%dma_start3A_343 : memref<128xi32, #tpu.memory_space<vmem>>) semaphore(%arg15 : memref<!tpu.dma_semaphore, #tpu.memory_space<semaphore_mem>>)
          %dma_start3A_347 = arith.constant 2 : i32
          %dma_start3A_348 = arith.constant 2 : i32
          %dma_start3A_349 = arith.constant 0 : i32
          %dma_start3A_350 = arith.constant 0 : i32
          %dma_start3A_351 = tpu.memref_slice %arg11[%dma_start3A_348, %dma_start3A_349, %dma_start3A_350] : memref<4x128x16xf32, #tpu.memory_space<vmem>> -> memref<1x128x16xf32, #tpu.memory_space<vmem>>
          %dma_start3A_352 = tpu.memref_squeeze %dma_start3A_351 : memref<1x128x16xf32, #tpu.memory_space<vmem>> -> memref<128x16xf32, #tpu.memory_space<vmem>>
          %dma_start3A_353 = arith.constant 0 : i32
          %dma_start3A_354 = tpu.memref_slice %arg7[%dma_start3A_347, %dma_start3A_353] : memref<4x128xi32, #tpu.memory_space<vmem>> -> memref<1x128xi32, #tpu.memory_space<vmem>>
          %dma_start3A_355 = tpu.memref_squeeze %dma_start3A_354 : memref<1x128xi32, #tpu.memory_space<vmem>> -> memref<128xi32, #tpu.memory_space<vmem>>
          %dma_start3A_356 = arith.constant 0 : i32
          %dma_start3A_357 = arith.constant 0 : i32
          %dma_start3A_358 = tpu.memref_slice %arg2[%dma_start3A_356, %dma_start3A_357] : memref<110000x16xf32, #tpu.memory_space<hbm>> -> memref<110000x16xf32, #tpu.memory_space<hbm>>
          tpu.enqueue_indirect_dma source(%dma_start3A_358 : memref<110000x16xf32, #tpu.memory_space<hbm>>) target(%dma_start3A_352 : memref<128x16xf32, #tpu.memory_space<vmem>>) offsets(%dma_start3A_355 : memref<128xi32, #tpu.memory_space<vmem>>) semaphore(%arg15 : memref<!tpu.dma_semaphore, #tpu.memory_space<semaphore_mem>>)
          %dma_start3A_359 = arith.constant 3 : i32
          %dma_start3A_360 = arith.constant 3 : i32
          %dma_start3A_361 = arith.constant 0 : i32
          %dma_start3A_362 = arith.constant 0 : i32
          %dma_start3A_363 = tpu.memref_slice %arg11[%dma_start3A_360, %dma_start3A_361, %dma_start3A_362] : memref<4x128x16xf32, #tpu.memory_space<vmem>> -> memref<1x128x16xf32, #tpu.memory_space<vmem>>
          %dma_start3A_364 = tpu.memref_squeeze %dma_start3A_363 : memref<1x128x16xf32, #tpu.memory_space<vmem>> -> memref<128x16xf32, #tpu.memory_space<vmem>>
          %dma_start3A_365 = arith.constant 0 : i32
          %dma_start3A_366 = tpu.memref_slice %arg7[%dma_start3A_359, %dma_start3A_365] : memref<4x128xi32, #tpu.memory_space<vmem>> -> memref<1x128xi32, #tpu.memory_space<vmem>>
          %dma_start3A_367 = tpu.memref_squeeze %dma_start3A_366 : memref<1x128xi32, #tpu.memory_space<vmem>> -> memref<128xi32, #tpu.memory_space<vmem>>
          %dma_start3A_368 = arith.constant 0 : i32
          %dma_start3A_369 = arith.constant 0 : i32
          %dma_start3A_370 = tpu.memref_slice %arg2[%dma_start3A_368, %dma_start3A_369] : memref<110000x16xf32, #tpu.memory_space<hbm>> -> memref<110000x16xf32, #tpu.memory_space<hbm>>
          tpu.enqueue_indirect_dma source(%dma_start3A_370 : memref<110000x16xf32, #tpu.memory_space<hbm>>) target(%dma_start3A_364 : memref<128x16xf32, #tpu.memory_space<vmem>>) offsets(%dma_start3A_367 : memref<128xi32, #tpu.memory_space<vmem>>) semaphore(%arg15 : memref<!tpu.dma_semaphore, #tpu.memory_space<semaphore_mem>>)
        } else {
        }
        %dma_start3A_208 = arith.constant 0 : i32
        %dma_start3A_209 = arith.constant 0 : i32
        %dma_start3A_210 = arith.constant 0 : i32
        %dma_start3A_211 = arith.constant 0 : i32
        %dma_start3A_212 = tpu.memref_slice %arg12[%dma_start3A_208, %dma_start3A_210, %dma_start3A_211] : memref<4x128x16xf32, #tpu.memory_space<vmem>> -> memref<1x128x16xf32, #tpu.memory_space<vmem>>
        %dma_start3A_213 = tpu.memref_squeeze %dma_start3A_212 : memref<1x128x16xf32, #tpu.memory_space<vmem>> -> memref<128x16xf32, #tpu.memory_space<vmem>>
        %dma_start3A_214 = arith.constant 0 : i32
        %dma_start3A_215 = tpu.memref_slice %arg10[%dma_start3A_209, %dma_start3A_214] : memref<4x128xi32, #tpu.memory_space<vmem>> -> memref<1x128xi32, #tpu.memory_space<vmem>>
        %dma_start3A_216 = tpu.memref_squeeze %dma_start3A_215 : memref<1x128xi32, #tpu.memory_space<vmem>> -> memref<128xi32, #tpu.memory_space<vmem>>
        %dma_start3A_217 = arith.constant 0 : i32
        %dma_start3A_218 = arith.constant 0 : i32
        %dma_start3A_219 = tpu.memref_slice %arg6[%dma_start3A_217, %dma_start3A_218] : memref<100096x16xf32, #tpu.memory_space<vmem_shared>> -> memref<100096x16xf32, #tpu.memory_space<vmem_shared>>
        tpu.enqueue_indirect_dma source(%dma_start3A_213 : memref<128x16xf32, #tpu.memory_space<vmem>>) target(%dma_start3A_219 : memref<100096x16xf32, #tpu.memory_space<vmem_shared>>) offsets(%dma_start3A_216 : memref<128xi32, #tpu.memory_space<vmem>>) semaphore(%arg16 : memref<!tpu.dma_semaphore, #tpu.memory_space<semaphore_mem>>) {add = true}
        %dma_start3A_220 = arith.constant 1 : i32
        %dma_start3A_221 = arith.constant 1 : i32
        %dma_start3A_222 = arith.constant 0 : i32
        %dma_start3A_223 = arith.constant 0 : i32
        %dma_start3A_224 = tpu.memref_slice %arg12[%dma_start3A_220, %dma_start3A_222, %dma_start3A_223] : memref<4x128x16xf32, #tpu.memory_space<vmem>> -> memref<1x128x16xf32, #tpu.memory_space<vmem>>
        %dma_start3A_225 = tpu.memref_squeeze %dma_start3A_224 : memref<1x128x16xf32, #tpu.memory_space<vmem>> -> memref<128x16xf32, #tpu.memory_space<vmem>>
        %dma_start3A_226 = arith.constant 0 : i32
        %dma_start3A_227 = tpu.memref_slice %arg10[%dma_start3A_221, %dma_start3A_226] : memref<4x128xi32, #tpu.memory_space<vmem>> -> memref<1x128xi32, #tpu.memory_space<vmem>>
        %dma_start3A_228 = tpu.memref_squeeze %dma_start3A_227 : memref<1x128xi32, #tpu.memory_space<vmem>> -> memref<128xi32, #tpu.memory_space<vmem>>
        %dma_start3A_229 = arith.constant 0 : i32
        %dma_start3A_230 = arith.constant 0 : i32
        %dma_start3A_231 = tpu.memref_slice %arg6[%dma_start3A_229, %dma_start3A_230] : memref<100096x16xf32, #tpu.memory_space<vmem_shared>> -> memref<100096x16xf32, #tpu.memory_space<vmem_shared>>
        tpu.enqueue_indirect_dma source(%dma_start3A_225 : memref<128x16xf32, #tpu.memory_space<vmem>>) target(%dma_start3A_231 : memref<100096x16xf32, #tpu.memory_space<vmem_shared>>) offsets(%dma_start3A_228 : memref<128xi32, #tpu.memory_space<vmem>>) semaphore(%arg16 : memref<!tpu.dma_semaphore, #tpu.memory_space<semaphore_mem>>) {add = true}
        %dma_start3A_232 = arith.constant 2 : i32
        %dma_start3A_233 = arith.constant 2 : i32
        %dma_start3A_234 = arith.constant 0 : i32
        %dma_start3A_235 = arith.constant 0 : i32
        %dma_start3A_236 = tpu.memref_slice %arg12[%dma_start3A_232, %dma_start3A_234, %dma_start3A_235] : memref<4x128x16xf32, #tpu.memory_space<vmem>> -> memref<1x128x16xf32, #tpu.memory_space<vmem>>
        %dma_start3A_237 = tpu.memref_squeeze %dma_start3A_236 : memref<1x128x16xf32, #tpu.memory_space<vmem>> -> memref<128x16xf32, #tpu.memory_space<vmem>>
        %dma_start3A_238 = arith.constant 0 : i32
        %dma_start3A_239 = tpu.memref_slice %arg10[%dma_start3A_233, %dma_start3A_238] : memref<4x128xi32, #tpu.memory_space<vmem>> -> memref<1x128xi32, #tpu.memory_space<vmem>>
        %dma_start3A_240 = tpu.memref_squeeze %dma_start3A_239 : memref<1x128xi32, #tpu.memory_space<vmem>> -> memref<128xi32, #tpu.memory_space<vmem>>
        %dma_start3A_241 = arith.constant 0 : i32
        %dma_start3A_242 = arith.constant 0 : i32
        %dma_start3A_243 = tpu.memref_slice %arg6[%dma_start3A_241, %dma_start3A_242] : memref<100096x16xf32, #tpu.memory_space<vmem_shared>> -> memref<100096x16xf32, #tpu.memory_space<vmem_shared>>
        tpu.enqueue_indirect_dma source(%dma_start3A_237 : memref<128x16xf32, #tpu.memory_space<vmem>>) target(%dma_start3A_243 : memref<100096x16xf32, #tpu.memory_space<vmem_shared>>) offsets(%dma_start3A_240 : memref<128xi32, #tpu.memory_space<vmem>>) semaphore(%arg16 : memref<!tpu.dma_semaphore, #tpu.memory_space<semaphore_mem>>) {add = true}
        %dma_start3A_244 = arith.constant 3 : i32
        %dma_start3A_245 = arith.constant 3 : i32
        %dma_start3A_246 = arith.constant 0 : i32
        %dma_start3A_247 = arith.constant 0 : i32
        %dma_start3A_248 = tpu.memref_slice %arg12[%dma_start3A_244, %dma_start3A_246, %dma_start3A_247] : memref<4x128x16xf32, #tpu.memory_space<vmem>> -> memref<1x128x16xf32, #tpu.memory_space<vmem>>
        %dma_start3A_249 = tpu.memref_squeeze %dma_start3A_248 : memref<1x128x16xf32, #tpu.memory_space<vmem>> -> memref<128x16xf32, #tpu.memory_space<vmem>>
        %dma_start3A_250 = arith.constant 0 : i32
        %dma_start3A_251 = tpu.memref_slice %arg10[%dma_start3A_245, %dma_start3A_250] : memref<4x128xi32, #tpu.memory_space<vmem>> -> memref<1x128xi32, #tpu.memory_space<vmem>>
        %dma_start3A_252 = tpu.memref_squeeze %dma_start3A_251 : memref<1x128xi32, #tpu.memory_space<vmem>> -> memref<128xi32, #tpu.memory_space<vmem>>
        %dma_start3A_253 = arith.constant 0 : i32
        %dma_start3A_254 = arith.constant 0 : i32
        %dma_start3A_255 = tpu.memref_slice %arg6[%dma_start3A_253, %dma_start3A_254] : memref<100096x16xf32, #tpu.memory_space<vmem_shared>> -> memref<100096x16xf32, #tpu.memory_space<vmem_shared>>
        tpu.enqueue_indirect_dma source(%dma_start3A_249 : memref<128x16xf32, #tpu.memory_space<vmem>>) target(%dma_start3A_255 : memref<100096x16xf32, #tpu.memory_space<vmem_shared>>) offsets(%dma_start3A_252 : memref<128xi32, #tpu.memory_space<vmem>>) semaphore(%arg16 : memref<!tpu.dma_semaphore, #tpu.memory_space<semaphore_mem>>) {add = true}
        %dma_wait3A_256 = arith.constant 0 : i32
        %dma_wait3A_257 = arith.constant 0 : i32
        %dma_wait3A_258 = arith.constant 0 : i32
        %dma_wait3A_259 = arith.constant 0 : i32
        %dma_wait3A_260 = tpu.memref_slice %arg12[%dma_wait3A_256, %dma_wait3A_258, %dma_wait3A_259] : memref<4x128x16xf32, #tpu.memory_space<vmem>> -> memref<1x128x16xf32, #tpu.memory_space<vmem>>
        %dma_wait3A_261 = tpu.memref_squeeze %dma_wait3A_260 : memref<1x128x16xf32, #tpu.memory_space<vmem>> -> memref<128x16xf32, #tpu.memory_space<vmem>>
        %dma_wait3A_262 = arith.constant 0 : i32
        %dma_wait3A_263 = tpu.memref_slice %arg10[%dma_wait3A_257, %dma_wait3A_262] : memref<4x128xi32, #tpu.memory_space<vmem>> -> memref<1x128xi32, #tpu.memory_space<vmem>>
        %dma_wait3A_264 = tpu.memref_squeeze %dma_wait3A_263 : memref<1x128xi32, #tpu.memory_space<vmem>> -> memref<128xi32, #tpu.memory_space<vmem>>
        %dma_wait3A_265 = arith.constant 0 : i32
        %dma_wait3A_266 = arith.constant 0 : i32
        %dma_wait3A_267 = tpu.memref_slice %arg6[%dma_wait3A_265, %dma_wait3A_266] : memref<100096x16xf32, #tpu.memory_space<vmem_shared>> -> memref<100096x16xf32, #tpu.memory_space<vmem_shared>>
        tpu.wait_indirect_dma semaphore(%arg16 : memref<!tpu.dma_semaphore, #tpu.memory_space<semaphore_mem>>) src(%dma_wait3A_261 : memref<128x16xf32, #tpu.memory_space<vmem>>) dst(%dma_wait3A_267 : memref<100096x16xf32, #tpu.memory_space<vmem_shared>>)
        %dma_wait3A_268 = arith.constant 1 : i32
        %dma_wait3A_269 = arith.constant 1 : i32
        %dma_wait3A_270 = arith.constant 0 : i32
        %dma_wait3A_271 = arith.constant 0 : i32
        %dma_wait3A_272 = tpu.memref_slice %arg12[%dma_wait3A_268, %dma_wait3A_270, %dma_wait3A_271] : memref<4x128x16xf32, #tpu.memory_space<vmem>> -> memref<1x128x16xf32, #tpu.memory_space<vmem>>
        %dma_wait3A_273 = tpu.memref_squeeze %dma_wait3A_272 : memref<1x128x16xf32, #tpu.memory_space<vmem>> -> memref<128x16xf32, #tpu.memory_space<vmem>>
        %dma_wait3A_274 = arith.constant 0 : i32
        %dma_wait3A_275 = tpu.memref_slice %arg10[%dma_wait3A_269, %dma_wait3A_274] : memref<4x128xi32, #tpu.memory_space<vmem>> -> memref<1x128xi32, #tpu.memory_space<vmem>>
        %dma_wait3A_276 = tpu.memref_squeeze %dma_wait3A_275 : memref<1x128xi32, #tpu.memory_space<vmem>> -> memref<128xi32, #tpu.memory_space<vmem>>
        %dma_wait3A_277 = arith.constant 0 : i32
        %dma_wait3A_278 = arith.constant 0 : i32
        %dma_wait3A_279 = tpu.memref_slice %arg6[%dma_wait3A_277, %dma_wait3A_278] : memref<100096x16xf32, #tpu.memory_space<vmem_shared>> -> memref<100096x16xf32, #tpu.memory_space<vmem_shared>>
        tpu.wait_indirect_dma semaphore(%arg16 : memref<!tpu.dma_semaphore, #tpu.memory_space<semaphore_mem>>) src(%dma_wait3A_273 : memref<128x16xf32, #tpu.memory_space<vmem>>) dst(%dma_wait3A_279 : memref<100096x16xf32, #tpu.memory_space<vmem_shared>>)
        %dma_wait3A_280 = arith.constant 2 : i32
        %dma_wait3A_281 = arith.constant 2 : i32
        %dma_wait3A_282 = arith.constant 0 : i32
        %dma_wait3A_283 = arith.constant 0 : i32
        %dma_wait3A_284 = tpu.memref_slice %arg12[%dma_wait3A_280, %dma_wait3A_282, %dma_wait3A_283] : memref<4x128x16xf32, #tpu.memory_space<vmem>> -> memref<1x128x16xf32, #tpu.memory_space<vmem>>
        %dma_wait3A_285 = tpu.memref_squeeze %dma_wait3A_284 : memref<1x128x16xf32, #tpu.memory_space<vmem>> -> memref<128x16xf32, #tpu.memory_space<vmem>>
        %dma_wait3A_286 = arith.constant 0 : i32
        %dma_wait3A_287 = tpu.memref_slice %arg10[%dma_wait3A_281, %dma_wait3A_286] : memref<4x128xi32, #tpu.memory_space<vmem>> -> memref<1x128xi32, #tpu.memory_space<vmem>>
        %dma_wait3A_288 = tpu.memref_squeeze %dma_wait3A_287 : memref<1x128xi32, #tpu.memory_space<vmem>> -> memref<128xi32, #tpu.memory_space<vmem>>
        %dma_wait3A_289 = arith.constant 0 : i32
        %dma_wait3A_290 = arith.constant 0 : i32
        %dma_wait3A_291 = tpu.memref_slice %arg6[%dma_wait3A_289, %dma_wait3A_290] : memref<100096x16xf32, #tpu.memory_space<vmem_shared>> -> memref<100096x16xf32, #tpu.memory_space<vmem_shared>>
        tpu.wait_indirect_dma semaphore(%arg16 : memref<!tpu.dma_semaphore, #tpu.memory_space<semaphore_mem>>) src(%dma_wait3A_285 : memref<128x16xf32, #tpu.memory_space<vmem>>) dst(%dma_wait3A_291 : memref<100096x16xf32, #tpu.memory_space<vmem_shared>>)
        %dma_wait3A_292 = arith.constant 3 : i32
        %dma_wait3A_293 = arith.constant 3 : i32
        %dma_wait3A_294 = arith.constant 0 : i32
        %dma_wait3A_295 = arith.constant 0 : i32
        %dma_wait3A_296 = tpu.memref_slice %arg12[%dma_wait3A_292, %dma_wait3A_294, %dma_wait3A_295] : memref<4x128x16xf32, #tpu.memory_space<vmem>> -> memref<1x128x16xf32, #tpu.memory_space<vmem>>
        %dma_wait3A_297 = tpu.memref_squeeze %dma_wait3A_296 : memref<1x128x16xf32, #tpu.memory_space<vmem>> -> memref<128x16xf32, #tpu.memory_space<vmem>>
        %dma_wait3A_298 = arith.constant 0 : i32
        %dma_wait3A_299 = tpu.memref_slice %arg10[%dma_wait3A_293, %dma_wait3A_298] : memref<4x128xi32, #tpu.memory_space<vmem>> -> memref<1x128xi32, #tpu.memory_space<vmem>>
        %dma_wait3A_300 = tpu.memref_squeeze %dma_wait3A_299 : memref<1x128xi32, #tpu.memory_space<vmem>> -> memref<128xi32, #tpu.memory_space<vmem>>
        %dma_wait3A_301 = arith.constant 0 : i32
        %dma_wait3A_302 = arith.constant 0 : i32
        %dma_wait3A_303 = tpu.memref_slice %arg6[%dma_wait3A_301, %dma_wait3A_302] : memref<100096x16xf32, #tpu.memory_space<vmem_shared>> -> memref<100096x16xf32, #tpu.memory_space<vmem_shared>>
        tpu.wait_indirect_dma semaphore(%arg16 : memref<!tpu.dma_semaphore, #tpu.memory_space<semaphore_mem>>) src(%dma_wait3A_297 : memref<128x16xf32, #tpu.memory_space<vmem>>) dst(%dma_wait3A_303 : memref<100096x16xf32, #tpu.memory_space<vmem_shared>>)
        %add3A_304 = arith.constant 2 : i32
        %add3A_305 = arith.addi %scan3A_142, %add3A_304 : i32
        %lt3A_306 = arith.constant 220 : i32
        %lt3A_307 = arith.cmpi slt, %add3A_305, %lt3A_306 : i32
        %convert_element_type3A_308 = arith.extui %lt3A_307 : i1 to i32
        %cond3A_309 = arith.constant 0 : i32
        %cond3A_310 = arith.cmpi ne, %convert_element_type3A_308, %cond3A_309 : i32
        scf.if %cond3A_310 {
          %add3A_311 = arith.constant 2 : i32
          %add3A_312 = arith.addi %scan3A_142, %add3A_311 : i32
          %mul3A_313 = arith.constant 4 : i32
          %mul3A_314 = arith.muli %add3A_312, %mul3A_313 : i32
          %add3A_315 = arith.addi %mul3A_2, %mul3A_314 : i32
          %dma_start3A_316 = arith.constant 0 : i32
          %dma_start3A_317 = tpu.memref_slice %arg3[%add3A_315, %dma_start3A_316] : memref<28160x128xi32, #tpu.memory_space<hbm>> -> memref<4x128xi32, #tpu.memory_space<hbm>>
          %dma_start3A_318 = arith.constant 0 : i32
          %dma_start3A_319 = tpu.memref_slice %arg3[%add3A_315, %dma_start3A_318] : memref<28160x128xi32, #tpu.memory_space<hbm>> -> memref<4x128xi32, #tpu.memory_space<hbm>>
          tpu.enqueue_dma source(%dma_start3A_319 : memref<4x128xi32, #tpu.memory_space<hbm>>) target(%arg9 : memref<4x128xi32, #tpu.memory_space<vmem>>) target_semaphore(%arg14 : memref<!tpu.dma_semaphore, #tpu.memory_space<semaphore_mem>>)
          %dma_start3A_320 = arith.constant 0 : i32
          %dma_start3A_321 = tpu.memref_slice %arg4[%add3A_315, %dma_start3A_320] : memref<28160x128xi32, #tpu.memory_space<hbm>> -> memref<4x128xi32, #tpu.memory_space<hbm>>
          %dma_start3A_322 = arith.constant 0 : i32
          %dma_start3A_323 = tpu.memref_slice %arg4[%add3A_315, %dma_start3A_322] : memref<28160x128xi32, #tpu.memory_space<hbm>> -> memref<4x128xi32, #tpu.memory_space<hbm>>
          tpu.enqueue_dma source(%dma_start3A_323 : memref<4x128xi32, #tpu.memory_space<hbm>>) target(%arg10 : memref<4x128xi32, #tpu.memory_space<vmem>>) target_semaphore(%arg14 : memref<!tpu.dma_semaphore, #tpu.memory_space<semaphore_mem>>)
        } else {
        }
      } else {
      }
      %scan3A_154 = arith.constant 0 : i32
      scf.yield %scan3A_154 : i32
    }
    %scan3A_136 = arith.constant 220 : i32
    %barrier3A_137 = arith.constant 0 : index
    tpu.barrier barrier_id(%barrier3A_137)
    %mul3A_138 = arith.constant 6256 : i32
    %mul3A_139 = arith.muli %arg1, %mul3A_138 : i32
    %mul3A_140 = arith.constant 6256 : i32
    %mul3A_141 = arith.muli %arg1, %mul3A_140 : i32
    "tpu.region"() ({
      %run_scoped3A = tpu.sem_alloc : memref<!tpu.dma_semaphore, #tpu.memory_space<semaphore_mem>>
      %dma_start3A_142 = arith.constant 0 : i32
      %dma_start3A_143 = tpu.memref_slice %arg5[%arg0, %mul3A_141, %dma_start3A_142] : memref<2x100096x16xf32, #tpu.memory_space<hbm>> -> memref<1x6256x16xf32, #tpu.memory_space<hbm>>
      %dma_start3A_144 = tpu.memref_squeeze %dma_start3A_143 : memref<1x6256x16xf32, #tpu.memory_space<hbm>> -> memref<6256x16xf32, #tpu.memory_space<hbm>>
      %dma_start3A_145 = arith.constant 0 : i32
      %dma_start3A_146 = tpu.memref_slice %arg6[%mul3A_139, %dma_start3A_145] : memref<100096x16xf32, #tpu.memory_space<vmem_shared>> -> memref<6256x16xf32, #tpu.memory_space<vmem_shared>>
      tpu.enqueue_dma source(%dma_start3A_146 : memref<6256x16xf32, #tpu.memory_space<vmem_shared>>) target(%dma_start3A_144 : memref<6256x16xf32, #tpu.memory_space<hbm>>) target_semaphore(%run_scoped3A : memref<!tpu.dma_semaphore, #tpu.memory_space<semaphore_mem>>)
      %dma_wait3A = arith.constant 0 : i32
      %dma_wait3A_147 = tpu.memref_slice %arg5[%arg0, %mul3A_141, %dma_wait3A] : memref<2x100096x16xf32, #tpu.memory_space<hbm>> -> memref<1x6256x16xf32, #tpu.memory_space<hbm>>
      %dma_wait3A_148 = tpu.memref_squeeze %dma_wait3A_147 : memref<1x6256x16xf32, #tpu.memory_space<hbm>> -> memref<6256x16xf32, #tpu.memory_space<hbm>>
      %dma_wait3A_149 = arith.constant 0 : i32
      %dma_wait3A_150 = tpu.memref_slice %arg6[%mul3A_139, %dma_wait3A_149] : memref<100096x16xf32, #tpu.memory_space<vmem_shared>> -> memref<6256x16xf32, #tpu.memory_space<vmem_shared>>
      tpu.wait_dma2 semaphore(%run_scoped3A : memref<!tpu.dma_semaphore, #tpu.memory_space<semaphore_mem>>) src(%dma_wait3A_150 : memref<6256x16xf32, #tpu.memory_space<vmem_shared>>) dst(%dma_wait3A_148 : memref<6256x16xf32, #tpu.memory_space<hbm>>)
      tpu.yield
    }) : () -> ()
    return
  }
}

module attributes {stable_mosaic.version = 14 : i64} {
  func.func @_proj_body(%arg0: i32, %arg1: memref<10000x16xf32, #tpu.memory_space<vmem>>, %arg2: memref<16x32xf32, #tpu.memory_space<vmem>>, %arg3: memref<1x32xf32, #tpu.memory_space<vmem>>, %arg4: memref<10000x16xf32, #tpu.memory_space<vmem>>, %arg5: memref<10000x16xf32, #tpu.memory_space<vmem>>) attributes {dimension_semantics = [#tpu.dimension_semantics<arbitrary>], iteration_bounds = array<i64: 1>, scalar_prefetch = 0 : i64, scratch_operands = 0 : i64, tpu.core_type = #tpu.core_type<tc>, window_params = [{transform_indices = @transform_0, window_bounds = array<i64: 10000, 16>}, {pipeline_mode = #tpu.pipeline_mode<synchronous>, transform_indices = @transform_1, window_bounds = array<i64: 16, 32>}, {pipeline_mode = #tpu.pipeline_mode<synchronous>, transform_indices = @transform_2, window_bounds = array<i64: 1, 32>}, {transform_indices = @transform_3, window_bounds = array<i64: 10000, 16>}, {transform_indices = @transform_4, window_bounds = array<i64: 10000, 16>}]} {
    %get3A = arith.constant 0 : index
    %get3A_0 = arith.constant 0 : index
    %get3A_1 = vector.load %arg1[%get3A, %get3A_0] : memref<10000x16xf32, #tpu.memory_space<vmem>>, vector<10000x16xf32>
    %get3A_2 = arith.constant 0 : index
    %get3A_3 = arith.constant 0 : index
    %get3A_4 = vector.load %arg2[%get3A_2, %get3A_3] : memref<16x32xf32, #tpu.memory_space<vmem>>, vector<16x32xf32>
    %dot_general3A = arith.constant dense<0.000000e+00> : vector<10000x32xf32>
    %dot_general3A_5 = tpu.matmul %get3A_1, %get3A_4, %dot_general3A {dimension_numbers = #tpu.dot_dimension_numbers<[1], [0], [0], [1], [0, 0, 1, 1], [], []>, transpose_lhs_hint = false} : vector<10000x16xf32>, vector<16x32xf32>, vector<10000x32xf32> -> vector<10000x32xf32>
    %get3A_6 = arith.constant 0 : index
    %get3A_7 = arith.constant 0 : index
    %get3A_8 = vector.load %arg3[%get3A_6, %get3A_7] : memref<1x32xf32, #tpu.memory_space<vmem>>, vector<1x32xf32>
    %add3A = vector.broadcast %get3A_8 : vector<1x32xf32> to vector<10000x32xf32>
    %add3A_9 = arith.addf %dot_general3A_5, %add3A : vector<10000x32xf32>
    %max3A = arith.constant 0.000000e+00 : f32
    %max3A_10 = vector.broadcast %max3A : f32 to vector<10000x32xf32>
    %max3A_11 = arith.maximumf %add3A_9, %max3A_10 : vector<10000x32xf32>
    %slice3A = vector.extract_strided_slice %max3A_11 {offsets = [0, 0], sizes = [10000, 16], strides = [1, 1]} : vector<10000x32xf32> to vector<10000x16xf32>
    %swap3A = arith.constant 0 : index
    %swap3A_12 = arith.constant 0 : index
    %swap3A_13 = vector.load %arg4[%swap3A, %swap3A_12] : memref<10000x16xf32, #tpu.memory_space<vmem>>, vector<10000x16xf32>
    tpu.vector_store %arg4[%swap3A, %swap3A_12], %slice3A {strides = array<i32>} : memref<10000x16xf32, #tpu.memory_space<vmem>>, vector<10000x16xf32>,
    %slice3A_14 = vector.extract_strided_slice %max3A_11 {offsets = [0, 16], sizes = [10000, 16], strides = [1, 1]} : vector<10000x32xf32> to vector<10000x16xf32>
    %swap3A_15 = arith.constant 0 : index
    %swap3A_16 = arith.constant 0 : index
    %swap3A_17 = vector.load %arg5[%swap3A_15, %swap3A_16] : memref<10000x16xf32, #tpu.memory_space<vmem>>, vector<10000x16xf32>
    tpu.vector_store %arg5[%swap3A_15, %swap3A_16], %slice3A_14 {strides = array<i32>} : memref<10000x16xf32, #tpu.memory_space<vmem>>, vector<10000x16xf32>,
    return
  }
  func.func @transform_0(%arg0: i32) -> (i32, i32) {
    %c0_i32 = arith.constant 0 : i32
    %c0_i32_0 = arith.constant 0 : i32
    return %arg0, %c0_i32 : i32, i32
  }
  func.func @transform_1(%arg0: i32) -> (i32, i32) {
    %c0_i32 = arith.constant 0 : i32
    %c0_i32_0 = arith.constant 0 : i32
    %c0_i32_1 = arith.constant 0 : i32
    return %c0_i32, %c0_i32_0 : i32, i32
  }
  func.func @transform_2(%arg0: i32) -> (i32, i32) {
    %c0_i32 = arith.constant 0 : i32
    %c0_i32_0 = arith.constant 0 : i32
    %c0_i32_1 = arith.constant 0 : i32
    return %c0_i32, %c0_i32_0 : i32, i32
  }
  func.func @transform_3(%arg0: i32) -> (i32, i32) {
    %c0_i32 = arith.constant 0 : i32
    %c0_i32_0 = arith.constant 0 : i32
    return %arg0, %c0_i32 : i32, i32
  }
  func.func @transform_4(%arg0: i32) -> (i32, i32) {
    %c0_i32 = arith.constant 0 : i32
    %c0_i32_0 = arith.constant 0 : i32
    return %arg0, %c0_i32 : i32, i32
  }
}

module attributes {stable_mosaic.version = 14 : i64} {
  func.func @_proj_body(%arg0: i32, %arg1: memref<1000x128xf32, #tpu.memory_space<vmem>>, %arg2: memref<128x32xf32, #tpu.memory_space<vmem>>, %arg3: memref<1x32xf32, #tpu.memory_space<vmem>>, %arg4: memref<1000x16xf32, #tpu.memory_space<vmem>>, %arg5: memref<1000x16xf32, #tpu.memory_space<vmem>>) attributes {dimension_semantics = [#tpu.dimension_semantics<arbitrary>], iteration_bounds = array<i64: 100>, scalar_prefetch = 0 : i64, scratch_operands = 0 : i64, tpu.core_type = #tpu.core_type<tc>, window_params = [{transform_indices = @transform_0, window_bounds = array<i64: 1000, 128>}, {pipeline_mode = #tpu.pipeline_mode<synchronous>, transform_indices = @transform_1, window_bounds = array<i64: 128, 32>}, {pipeline_mode = #tpu.pipeline_mode<synchronous>, transform_indices = @transform_2, window_bounds = array<i64: 1, 32>}, {transform_indices = @transform_3, window_bounds = array<i64: 1000, 16>}, {transform_indices = @transform_4, window_bounds = array<i64: 1000, 16>}]} {
    %get3A = arith.constant 0 : index
    %get3A_0 = arith.constant 0 : index
    %get3A_1 = vector.load %arg1[%get3A, %get3A_0] : memref<1000x128xf32, #tpu.memory_space<vmem>>, vector<1000x128xf32>
    %get3A_2 = arith.constant 0 : index
    %get3A_3 = arith.constant 0 : index
    %get3A_4 = vector.load %arg2[%get3A_2, %get3A_3] : memref<128x32xf32, #tpu.memory_space<vmem>>, vector<128x32xf32>
    %dot_general3A = arith.constant dense<0.000000e+00> : vector<1000x32xf32>
    %dot_general3A_5 = tpu.matmul %get3A_1, %get3A_4, %dot_general3A {dimension_numbers = #tpu.dot_dimension_numbers<[1], [0], [0], [1], [0, 0, 1, 1], [], []>, transpose_lhs_hint = false} : vector<1000x128xf32>, vector<128x32xf32>, vector<1000x32xf32> -> vector<1000x32xf32>
    %get3A_6 = arith.constant 0 : index
    %get3A_7 = arith.constant 0 : index
    %get3A_8 = vector.load %arg3[%get3A_6, %get3A_7] : memref<1x32xf32, #tpu.memory_space<vmem>>, vector<1x32xf32>
    %add3A = vector.broadcast %get3A_8 : vector<1x32xf32> to vector<1000x32xf32>
    %add3A_9 = arith.addf %dot_general3A_5, %add3A : vector<1000x32xf32>
    %max3A = arith.constant 0.000000e+00 : f32
    %max3A_10 = vector.broadcast %max3A : f32 to vector<1000x32xf32>
    %max3A_11 = arith.maximumf %add3A_9, %max3A_10 : vector<1000x32xf32>
    %slice3A = vector.extract_strided_slice %max3A_11 {offsets = [0, 0], sizes = [1000, 16], strides = [1, 1]} : vector<1000x32xf32> to vector<1000x16xf32>
    %swap3A = arith.constant 0 : index
    %swap3A_12 = arith.constant 0 : index
    %swap3A_13 = vector.load %arg4[%swap3A, %swap3A_12] : memref<1000x16xf32, #tpu.memory_space<vmem>>, vector<1000x16xf32>
    tpu.vector_store %arg4[%swap3A, %swap3A_12], %slice3A {strides = array<i32>} : memref<1000x16xf32, #tpu.memory_space<vmem>>, vector<1000x16xf32>,
    %slice3A_14 = vector.extract_strided_slice %max3A_11 {offsets = [0, 16], sizes = [1000, 16], strides = [1, 1]} : vector<1000x32xf32> to vector<1000x16xf32>
    %swap3A_15 = arith.constant 0 : index
    %swap3A_16 = arith.constant 0 : index
    %swap3A_17 = vector.load %arg5[%swap3A_15, %swap3A_16] : memref<1000x16xf32, #tpu.memory_space<vmem>>, vector<1000x16xf32>
    tpu.vector_store %arg5[%swap3A_15, %swap3A_16], %slice3A_14 {strides = array<i32>} : memref<1000x16xf32, #tpu.memory_space<vmem>>, vector<1000x16xf32>,
    return
  }
  func.func @transform_0(%arg0: i32) -> (i32, i32) {
    %c0_i32 = arith.constant 0 : i32
    %c0_i32_0 = arith.constant 0 : i32
    return %arg0, %c0_i32 : i32, i32
  }
  func.func @transform_1(%arg0: i32) -> (i32, i32) {
    %c0_i32 = arith.constant 0 : i32
    %c0_i32_0 = arith.constant 0 : i32
    %c0_i32_1 = arith.constant 0 : i32
    return %c0_i32, %c0_i32_0 : i32, i32
  }
  func.func @transform_2(%arg0: i32) -> (i32, i32) {
    %c0_i32 = arith.constant 0 : i32
    %c0_i32_0 = arith.constant 0 : i32
    %c0_i32_1 = arith.constant 0 : i32
    return %c0_i32, %c0_i32_0 : i32, i32
  }
  func.func @transform_3(%arg0: i32) -> (i32, i32) {
    %c0_i32 = arith.constant 0 : i32
    %c0_i32_0 = arith.constant 0 : i32
    return %arg0, %c0_i32 : i32, i32
  }
  func.func @transform_4(%arg0: i32) -> (i32, i32) {
    %c0_i32 = arith.constant 0 : i32
    %c0_i32_0 = arith.constant 0 : i32
    return %arg0, %c0_i32 : i32, i32
  }
}

module attributes {stable_mosaic.version = 14 : i64} {
  func.func @_final_body(%arg0: i32, %arg1: memref<1x1000x16xf32, #tpu.memory_space<vmem>>, %arg2: memref<1x1000x16xf32, #tpu.memory_space<vmem>>, %arg3: memref<1000x16xf32, #tpu.memory_space<vmem>>, %arg4: memref<16x128xf32, #tpu.memory_space<vmem>>, %arg5: memref<1x128xf32, #tpu.memory_space<vmem>>, %arg6: memref<1000x128xf32, #tpu.memory_space<vmem>>) attributes {dimension_semantics = [#tpu.dimension_semantics<arbitrary>], iteration_bounds = array<i64: 100>, scalar_prefetch = 0 : i64, scratch_operands = 0 : i64, tpu.core_type = #tpu.core_type<tc>, window_params = [{transform_indices = @transform_0, window_bounds = array<i64: 1, 1000, 16>}, {transform_indices = @transform_1, window_bounds = array<i64: 1, 1000, 16>}, {transform_indices = @transform_2, window_bounds = array<i64: 1000, 16>}, {pipeline_mode = #tpu.pipeline_mode<synchronous>, transform_indices = @transform_3, window_bounds = array<i64: 16, 128>}, {pipeline_mode = #tpu.pipeline_mode<synchronous>, transform_indices = @transform_4, window_bounds = array<i64: 1, 128>}, {transform_indices = @transform_5, window_bounds = array<i64: 1000, 128>}]} {
    %get3A = arith.constant 0 : index
    %get3A_0 = arith.constant 0 : index
    %get3A_1 = arith.constant 0 : index
    %get3A_2 = vector.load %arg1[%get3A, %get3A_0, %get3A_1] : memref<1x1000x16xf32, #tpu.memory_space<vmem>>, vector<1x1000x16xf32>
    %get3A_3 = vector.shape_cast %get3A_2 : vector<1x1000x16xf32> to vector<1000x16xf32>
    %get3A_4 = arith.constant 0 : index
    %get3A_5 = arith.constant 0 : index
    %get3A_6 = arith.constant 0 : index
    %get3A_7 = vector.load %arg2[%get3A_4, %get3A_5, %get3A_6] : memref<1x1000x16xf32, #tpu.memory_space<vmem>>, vector<1x1000x16xf32>
    %get3A_8 = vector.shape_cast %get3A_7 : vector<1x1000x16xf32> to vector<1000x16xf32>
    %add3A = arith.addf %get3A_3, %get3A_8 : vector<1000x16xf32>
    %get3A_9 = arith.constant 0 : index
    %get3A_10 = arith.constant 0 : index
    %get3A_11 = vector.load %arg3[%get3A_9, %get3A_10] : memref<1000x16xf32, #tpu.memory_space<vmem>>, vector<1000x16xf32>
    %add3A_12 = arith.addf %add3A, %get3A_11 : vector<1000x16xf32>
    %get3A_13 = arith.constant 0 : index
    %get3A_14 = arith.constant 0 : index
    %get3A_15 = vector.load %arg4[%get3A_13, %get3A_14] : memref<16x128xf32, #tpu.memory_space<vmem>>, vector<16x128xf32>
    %dot_general3A = arith.constant dense<0.000000e+00> : vector<1000x128xf32>
    %dot_general3A_16 = tpu.matmul %add3A_12, %get3A_15, %dot_general3A {dimension_numbers = #tpu.dot_dimension_numbers<[1], [0], [0], [1], [0, 0, 1, 1], [], []>, transpose_lhs_hint = false} : vector<1000x16xf32>, vector<16x128xf32>, vector<1000x128xf32> -> vector<1000x128xf32>
    %get3A_17 = arith.constant 0 : index
    %get3A_18 = arith.constant 0 : index
    %get3A_19 = vector.load %arg5[%get3A_17, %get3A_18] : memref<1x128xf32, #tpu.memory_space<vmem>>, vector<1x128xf32>
    %add3A_20 = vector.broadcast %get3A_19 : vector<1x128xf32> to vector<1000x128xf32>
    %add3A_21 = arith.addf %dot_general3A_16, %add3A_20 : vector<1000x128xf32>
    %swap3A = arith.constant 0 : index
    %swap3A_22 = arith.constant 0 : index
    %swap3A_23 = vector.load %arg6[%swap3A, %swap3A_22] : memref<1000x128xf32, #tpu.memory_space<vmem>>, vector<1000x128xf32>
    tpu.vector_store %arg6[%swap3A, %swap3A_22], %add3A_21 {strides = array<i32>} : memref<1000x128xf32, #tpu.memory_space<vmem>>, vector<1000x128xf32>,
    return
  }
  func.func @transform_0(%arg0: i32) -> (i32, i32, i32) {
    %c0_i32 = arith.constant 0 : i32
    %c0_i32_0 = arith.constant 0 : i32
    %c0_i32_1 = arith.constant 0 : i32
    return %c0_i32, %arg0, %c0_i32_0 : i32, i32, i32
  }
  func.func @transform_1(%arg0: i32) -> (i32, i32, i32) {
    %c1_i32 = arith.constant 1 : i32
    %c0_i32 = arith.constant 0 : i32
    %c0_i32_0 = arith.constant 0 : i32
    return %c1_i32, %arg0, %c0_i32 : i32, i32, i32
  }
  func.func @transform_2(%arg0: i32) -> (i32, i32) {
    %c0_i32 = arith.constant 0 : i32
    %c0_i32_0 = arith.constant 0 : i32
    return %arg0, %c0_i32 : i32, i32
  }
  func.func @transform_3(%arg0: i32) -> (i32, i32) {
    %c0_i32 = arith.constant 0 : i32
    %c0_i32_0 = arith.constant 0 : i32
    %c0_i32_1 = arith.constant 0 : i32
    return %c0_i32, %c0_i32_0 : i32, i32
  }
  func.func @transform_4(%arg0: i32) -> (i32, i32) {
    %c0_i32 = arith.constant 0 : i32
    %c0_i32_0 = arith.constant 0 : i32
    %c0_i32_1 = arith.constant 0 : i32
    return %c0_i32, %c0_i32_0 : i32, i32
  }
  func.func @transform_5(%arg0: i32) -> (i32, i32) {
    %c0_i32 = arith.constant 0 : i32
    %c0_i32_0 = arith.constant 0 : i32
    return %arg0, %c0_i32 : i32, i32
  }
}

</mosaic_0001>

<sc_bundles>
// kernel: kernel.6.cloned.1.call-start
scs
__scs_entry_jumppad:
0x0: {  	(pc) =	sbr.rel $0x88, $3  }
0x1: {  	(tag) =	ssettag $0x0;
	lr =	simm.s32 $0x1  }
0x2: {  	[smem:$0x3F97] =	sst lr;
	_ =	strace $0xD0000000  }
0x3: {  	_ = 	snop  }
0x4: {  	_ = 	snop  }
0x5: {  	_ = 	snop  }
0x6: {  	_ = 	snop  }
0x7: {  	_ = 	snop  }
__scs_overlays_trampoline_lowered:
0x8: {  	[smem:$0x3FA6] =	sst s0  }
0x9: {  	[smem:$0x3FA7] =	sst s1  }
0xa: {  	[smem:$0x3FA8] =	sst s2  }
0xb: {  	[smem:$0x3FA9] =	sst s3  }
0xc: {  	[smem:$0x3FAA] =	sst s4  }
0xd: {  	[smem:$0x3FAB] =	sst s5  }
0xe: {  	[smem:$0x3FAC] =	sst s6  }
0xf: {  	[smem:$0x3FAD] =	sst s7  }
0x10: {  	[smem:$0x3FAE] =	sst s8  }
0x11: {  	[smem:$0x3FAF] =	sst s9;
	s0 =	simm.s32 @!p0 $0x0  }
0x12: {  	s1 =	sld [smem:$0x3F95];
	s0 =	simm.s32 @p0 $0x1  }
0x13: {  	[smem:$0x3FB0] =	sst s0;
	s0 =	simm.s32 @!p1 $0x0  }
0x14: {  	s2 =	sld [smem:$0x3F94];
	s0 =	simm.s32 @p1 $0x1  }
0x15: {  	[smem:$0x3FB1] =	sst s0;
	s0 =	simm.s32 @!p2 $0x0  }
0x16: {  	s3 =	sld [smem:$0x3FDB];
	s0 =	simm.s32 @p2 $0x1  }
0x17: {  	s4 =	simm.s32 $0x1BF5;
	[smem:$0x3FB3] =	sst s0  }
0x18: {  	s0 =	sld [smem:$0x3F96];
	_ =	swait.ge [sflag:s4], $0x0  }
0x19: {  	s7 =	sld [smem:$0x3F97]  }
0x1a: {  	s8 =	sadd.s32 $0xFFFFE003, lr  }
0x1b: {  	s9 =	sadd.s32 $0xFFFFFEF7, lr;
	s5 =	simm.s32 $0xFFFFFFFF;
	p2 =	slt.u32 s8, $0xFFFFF086  }
0x1c: {  	p1 =	slt.u32 s9, $0xF7A;
	s5 =	simm.s32 @!p2 $0x0  }
0x1d: {  	s5 =	simm.s32 @p1 $0x1;
	p0 =	seq.s32 s7, s2  }
0x1e: {  	s7 =	smul.u32 @!p0 $0xF7A, s2;
	p2 =	seq.s32 @!p0 s5, $0x0  }
0x1f: {  	s9 =	smul.u32 $0xF7A, s1;
	s8 =	simm.s32 @!p0 $0x1BF5;
	p2 =	por !p2, p0  }
0x20: {  	[sflag:s8] =	ssyncset.s32 @!p0 $0xFFFFF086;
	s6 =	sadd.s32 @!p0 s3, s7;
	s7 =	simm.s32 @!p0 $0x108  }
0x21: {  	s3 =	sadd.s32 s3, s9;
	s6 =	sadd.s32 @!p0 $0x88, s6;
	s7 =	simm.s32 @p2 $0x1082  }
0x22: {  	[simem:s7], [sflag:s8] =	dma.local @!p0 [hbm:s6], $0xF7A  }
0x23: {  	s9 =	sor.u32 $0xD0000000, s2;
	s6 =	simm.s32 $0x108;
	_ =	swait.ge @!p0 [sflag:s8], $0x0  }
0x24: {  	s3 =	sadd.s32 $0x88, s3;
	s6 =	simm.s32 @!p1 $0x1082;
	[sflag:s4] =	ssyncset.s32 $0xFFFFF086  }
0x25: {  	[simem:s6], [sflag:s4] =	dma.local [hbm:s3], $0xF7A  }
0x26: {  	[smem:$0x3F97] =	sst s1;
	(tag) =	ssettag s2;
	_ =	strace s9  }
0x27: {  	s1 =	sld [smem:$0x3FA7]  }
0x28: {  	s2 =	sld [smem:$0x3FA8]  }
0x29: {  	s4 =	sld [smem:$0x3FAA]  }
0x2a: {  	p0 =	seq.s32 s5, $0x0;
	s5 =	sld [smem:$0x3FAB]  }
0x2b: {  	s6 =	sld [smem:$0x3FAC]  }
0x2c: {  	s7 =	sld [smem:$0x3FAD]  }
0x2d: {  	s3 =	simm.s32 $0x108;
	s8 =	sld [smem:$0x3FAE]  }
0x2e: {  	s3 =	simm.s32 @!p0 $0x1082;
	s9 =	sld [smem:$0x3FAF]  }
0x2f: {  	lr =	sadd.s32 s0, s3;
	s0 =	sld [smem:$0x3FA6]  }
0x30: {  	s3 =	sld [smem:$0x3FA9]  }
0x31: {  	[smem:$0x3FB2] =	sst s10  }
0x32: {  	s10 =	sld [smem:$0x3FB0];
	_ =	sdelay $0x3  }
0x33: {  	p0 =	seq.s32 s10, $0x1;
	s10 =	sld [smem:$0x3FB2];
	_ =	sdelay $0x3  }
0x34: {  	[smem:$0x3FB2] =	sst s10  }
0x35: {  	s10 =	sld [smem:$0x3FB1];
	_ =	sdelay $0x3  }
0x36: {  	p1 =	seq.s32 s10, $0x1;
	s10 =	sld [smem:$0x3FB2];
	_ =	sdelay $0x3  }
0x37: {  	[smem:$0x3FB2] =	sst s10  }
0x38: {  	s10 =	sld [smem:$0x3FB3]  }
0x39: {  	_ = 	snop;
	(pc) =	sbr.ind lr, $3  }
0x3a: {  	_ = 	snop  }
0x3b: {  	_ = 	snop  }
0x3c: {  	p2 =	seq.s32 s10, $0x1;
	s10 =	sld [smem:$0x3FB2]  }
0x3d: {  	_ =	shalt  }
0x3e: {  	_ =	shalt  }
0x3f: {  	_ =	shalt  }
0x40: {  	_ =	shalt  }
0x41: {  	_ =	shalt  }
0x42: {  	_ =	shalt  }
0x43: {  	_ =	shalt  }
0x44: {  	_ =	shalt  }
0x45: {  	_ =	shalt  }
0x46: {  	_ =	shalt  }
0x47: {  	_ =	shalt  }
0x48: {  	_ =	shalt  }
0x49: {  	_ =	shalt  }
0x4a: {  	_ =	shalt  }
0x4b: {  	_ =	shalt  }
0x4c: {  	_ =	shalt  }
0x4d: {  	_ =	shalt  }
0x4e: {  	_ =	shalt  }
0x4f: {  	_ =	shalt  }
0x50: {  	_ =	shalt  }
0x51: {  	_ =	shalt  }
0x52: {  	_ =	shalt  }
0x53: {  	_ =	shalt  }
0x54: {  	_ =	shalt  }
0x55: {  	_ =	shalt  }
0x56: {  	_ =	shalt  }
0x57: {  	_ =	shalt  }
0x58: {  	_ =	shalt  }
0x59: {  	_ =	shalt  }
0x5a: {  	_ =	shalt  }
0x5b: {  	_ =	shalt  }
0x5c: {  	_ =	shalt  }
0x5d: {  	_ =	shalt  }
0x5e: {  	_ =	shalt  }
0x5f: {  	_ =	shalt  }
0x60: {  	_ =	shalt  }
0x61: {  	_ =	shalt  }
0x62: {  	_ =	shalt  }
0x63: {  	_ =	shalt  }
0x64: {  	_ =	shalt  }
0x65: {  	_ =	shalt  }
0x66: {  	_ =	shalt  }
0x67: {  	_ =	shalt  }
0x68: {  	_ =	shalt  }
0x69: {  	_ =	shalt  }
0x6a: {  	_ =	shalt  }
0x6b: {  	_ =	shalt  }
0x6c: {  	_ =	shalt  }
0x6d: {  	_ =	shalt  }
0x6e: {  	_ =	shalt  }
0x6f: {  	_ =	shalt  }
0x70: {  	_ =	shalt  }
0x71: {  	_ =	shalt  }
0x72: {  	_ =	shalt  }
0x73: {  	_ =	shalt  }
0x74: {  	_ =	shalt  }
0x75: {  	_ =	shalt  }
0x76: {  	_ =	shalt  }
0x77: {  	_ =	shalt  }
0x78: {  	_ =	shalt  }
0x79: {  	_ =	shalt  }
0x7a: {  	_ =	shalt  }
0x7b: {  	_ =	shalt  }
0x7c: {  	_ =	shalt  }
0x7d: {  	_ =	shalt  }
0x7e: {  	_ =	shalt  }
0x7f: {  	_ =	shalt  }
0x80: {  	_ =	shalt  }
0x81: {  	_ =	shalt  }
0x82: {  	_ =	shalt  }
0x83: {  	_ =	shalt  }
0x84: {  	_ =	shalt  }
0x85: {  	_ =	shalt  }
0x86: {  	_ =	shalt  }
0x87: {  	_ =	shalt  }
.Lfunc_end0:
.L_simem_size_0:
called_computation_lowered:
.L_overlay_start_0:
0x88: {  	s2 =	sld [smem:$0x3FD9]  }
0x89: {  	s3 =	sld [smem:$0x3FFE];
	_ =	sdelay $0x1  }
0x8a: {  	s1 =	srdreg.scid  }
0x8b: {  	s0 =	sand.u32 $0x1, s1  }
0x8c: {  	s14 =	sshll.u32 s0, $0xA;
	s2 =	sadd.s32 s3, s2  }
0x8d: {  	s2 =	sadd.s32 s2, s14  }
0x8e: {  	[smem:$0x3FBE] =	sst s2  }
0x8f: {  	_ = 	snop  }
0x90: {  	s2 =	sld [smem:$0x3FD0];
	_ =	sdelay $0x2  }
0x91: {  	s15 =	simm.s32 $0xA;
	s4 =	simm.s32 $0x10  }
0x92: {  	[smem:s4], [sflag:s15] =	dma.local [hbm:s2], $0x1  }
0x93: {  	_ =	swait.eq [sflag:s15], $0x1  }
0x94: {  	[sflag:s15] =	ssyncset.done $0x0  }
0x95: {  	[sflag:s15] =	ssyncadd.s32 $0xFFFFFFFF  }
0x96: {  	s16 =	sld [smem:$0x10];
	(tm) =	ssettm $0x1  }
0x97: {  	s17 =	sld [smem:$0x3FFB];
	_ =	sdelay $0x3  }
0x98: {  	_ =	strace s17  }
0x99: {  	s3 =	sld [smem:$0x3FFC];
	_ =	sdelay $0x3  }
0x9a: {  	_ =	strace s3  }
0x9b: {  	s3 =	sld [smem:$0x3FFD];
	_ =	sdelay $0x3  }
0x9c: {  	_ =	strace s3  }
0x9d: {  	_ =	strace $0x8FFFFFFF  }
0x9e: {  	s18 =	sld [smem:$0x3FDB];
	_ =	sdelay $0x1  }
0x9f: {  	s19 =	simm.s32 $_scs_section_size  }
0xa0: {  	s5 =	simm.s32 $_size__tile_overlayer_lowered;
	s6 =	simm.s32 $_tile_overlayer_lowered  }
0xa1: {  	s22 =	simm.s32 $0x1BFF;
	s21 =	sshll.u32 s6, $0x1;
	s3 =	sadd.s32 s19, s18  }
0xa2: {  	s7 =	simm.s32 $0x0;
	s20 =	sshll.u32 s5, $0x1;
	s5 =	sadd.s32 s21, s3  }
0xa3: {  	[timem:s7], [sflag:s22] =	dma.local [hbm:s5], s20  }
0xa4: {  	_ =	swait.ge [sflag:s22], s20  }
0xa5: {  	s4 =	ssub.s32 $0x0, s20;
	[sflag:s22] =	ssyncset.done $0x0  }
0xa6: {  	[sflag:s22] =	ssyncadd.s32 s4;
	_ =	sdelay $0x1  }
0xa7: {  	s23 =	simm.s32 $0x1B8B  }
0xa8: {  	_ =	swait.ge [sflag:s23], $0x1  }
0xa9: {  	[sflag:s23] =	ssyncset.done $0x0  }
0xaa: {  	s25 =	simm.s32 $0x1B8E;
	s24 =	sld [smem:$0x3FFE];
	[sflag:s23] =	ssyncadd.s32 $0xFFFFFFFF  }
0xab: {  	s26 =	simm.s32 $execute0_lowered;
	[smem:$0x3FD2] =	sst s25  }
0xac: {  	s5 =	sshll.u32 s26, $0x1;
	_ =	strace $0x80000046;
	[dreg:$0x1] =	wrdreg $0xFFFFFFFF  }
0xad: {  	s28 =	simm.s32 $_size_execute0_lowered;
	s3 =	sadd.s32 s3, s5;
	[dreg:$0x0] =	wrdreg $0x0  }
0xae: {  	s5 =	sshll.u32 s28, $0x1;
	[dreg:$0x2] =	wrdreg s3  }
0xaf: {  	[dreg:$0x3] =	wrdreg s5  }
0xb0: {  	[dreg:$0x4] =	wrdreg $0xC0  }
0xb1: {  	_ =	task [dreg:s7], $0x5FFFF  }
0xb2: {  	[dreg:$0x1] =	wrdreg $0xFFFFFFFF  }
0xb3: {  	[dreg:$0x0] =	wrdreg $0x60  }
0xb4: {  	[dreg:$0x2] =	wrdreg s24  }
0xb5: {  	[dreg:$0x3] =	wrdreg s16  }
0xb6: {  	[dreg:$0x4] =	wrdreg $0x0  }
0xb7: {  	[dreg:$0x5] =	wrdreg $0x9  }
0xb8: {  	_ =	task.clear_ibuf [dreg:s7], $0x6FFFF;
	_ =	strace $0x90000046  }
0xb9: {  	s29 =	simm.s32 $0x9;
	_ =	strace $0x80000048  }
0xba: {  	_ =	swait.ge [sflag:s29], $0x1  }
0xbb: {  	[sflag:s29] =	ssyncadd.s32 $0xFFFFFFFF  }
0xbc: {  	_ =	strace $0x90000048  }
0xbd: {  	_ =	sfence  }
0xbe: {  	s30 =	sld [smem:$0x0];
	_ =	sdelay $0x2  }
0xbf: {  	s31 =	sshll.u32 s1, $0xD;
	s1 =	sshrl.u32 s1, $0x2  }
0xc0: {  	s3 =	sand.u32 $0x4000, s31;
	s1 =	sadd.s32 s1, s30  }
0xc1: {  	s0 =	sor.u32 s3, s0;
	s1 =	sshll.u32 s1, $0x11  }
0xc2: {  	s0 =	sor.u32 s1, s0  }
0xc3: {  	s0 =	sadd.s32 $0x8F2B, s0  }
0xc4: {  	[sflag:s0] =	ssyncadd.remote.s32 $0x1  }
0xc5: {  	_ =	sfence.sel $0xFFFF  }
0xc6: {  	[dreg:$0x0] =	wrdreg $0xFFFFFFFF;
	(pc) =	sbr.abs _section_cstart, $3  }
0xc7: {  	[dreg:$0x1] =	wrdreg $0xFFFFFFFF  }
0xc8: {  	_ =	task.clear_ibuf [dreg:s7], $0x2FFFF;
	_ =	strace $0x9FFFFFFF  }
0xc9: {  	(tm) =	ssettm $0x7FFFFFFF  }
tec
execute0_lowered:
.L_overlay_start_1:
0x0: {  	(tag) =	ssettag $0x1  }
0x1: {  	s0 =	rddreg [dreg:$0x0]  }
0x2: {  	s1 =	rddreg [dreg:$0x1]  }
0x3: {  	s2 =	rddreg [dreg:$0x2];
	s11 =	stileid.u32  }
0x4: {  	s4 =	srdreg.scid;
	s3 =	simm.s32 $0x0;
	s6 =	smul.u32 $0x18700, s11  }
0x5: {  	s31 =	simm.s32 $0x4;
	s5 =	sand.u32 $0x1, s4;
	s8 =	smul.u32 $0x61C00, s11  }
0x6: {  	[smem:$0x7FF] =	sst s3;
	s4 =	sadd.s32 $0x341600, s0;
	s14 =	smul.u32 $0x1B800, s11  }
0x7: {  	s9 =	sadd.s32 $0x193A00, s0;
	s7 =	smul.u32 $0x187000, s5;
	s8 =	sshrl.u32 s8, $0x2  }
0x8: {  	_ =	strace $0x80000047;
	s13 =	sadd.s32 s6, s2;
	s8 =	sadd.s32 s8, s2  }
0x9: {  	s10 =	ssub.s32 $0x2, s5;
	[dreg:$0x4] =	wrdreg s13;
	s26 =	sadd.s32 $0x1870, s8  }
0xa: {  	s25 =	sshll.u32 s5, $0x4;
	s28 =	sadd.s32 $0x30E0, s8;
	[dreg:$0x5] =	wrdreg s26  }
0xb: {  	s5 =	smul.u32 $0x1B8000, s5;
	s29 =	sadd.s32 $0x4950, s8;
	[dreg:$0x6] =	wrdreg s28  }
0xc: {  	s24 =	sshrl.u32 s10, $0x1;
	s30 =	sadd.s32 $0x61C0, s8;
	[dreg:$0x7] =	wrdreg s29  }
0xd: {  	s7 =	sadd.s32 s6, s7;
	s12 =	sadd.s32 $0x7A30, s8;
	[dreg:$0x8] =	wrdreg s30  }
0xe: {  	s5 =	sadd.s32 s14, s5;
	s15 =	sadd.s32 $0x92A0, s8;
	[dreg:$0x9] =	wrdreg s12  }
0xf: {  	s14 =	simm.s32 $0x1B700;
	s16 =	sadd.s32 $0xAB10, s8;
	[dreg:$0xa] =	wrdreg s15  }
0x10: {  	s7 =	sshrl.u32 s7, $0x3;
	s17 =	sadd.s32 $0xC380, s8;
	[dreg:$0xb] =	wrdreg s16  }
0x11: {  	s18 =	sadd.s32 $0xDBF0, s8;
	s19 =	sadd.s32 $0xF460, s8;
	[dreg:$0xc] =	wrdreg s17  }
0x12: {  	s5 =	sor.u32 $0x400, s5;
	s0 =	sadd.s32 s7, s0;
	[dreg:$0xd] =	wrdreg s18  }
0x13: {  	s7 =	ssub.s32 s10, s24;
	s10 =	sor.u32 s11, s25;
	[dreg:$0xe] =	wrdreg s19  }
0x14: {  	s5 =	sshrl.u32 s5, $0x3;
	s24 =	sadd.s32 $0x10CD0, s8;
	s25 =	sadd.s32 $0x12540, s8  }
0x15: {  	s26 =	sadd.s32 $0x13DB0, s8;
	s28 =	sadd.s32 $0x15620, s8;
	s29 =	sadd.s32 $0x16E90, s8  }
0x16: {  	s8 =	simm.s32 $0x19F00;
	s11 =	simm.s32 $0x2;
	[dreg:$0x15] =	wrdreg s24  }
0x17: {  	s12 =	simm.s32 $0x1AF00;
	s15 =	simm.s32 $0x18E00;
	[dreg:$0x16] =	wrdreg s25  }
0x18: {  	s16 =	simm.s32 $0x1BF00;
	s17 =	simm.s32 $0x18E80;
	[dreg:$0x17] =	wrdreg s26  }
0x19: {  	s18 =	simm.s32 $0x1C700;
	s19 =	simm.s32 $0x3;
	[dreg:$0x18] =	wrdreg s28  }
0x1a: {  	s10 =	smul.u32 $0x3700, s10;
	s23 =	sadd.s32 s5, s9;
	[dreg:$0x19] =	wrdreg s29  }
0x1b: {  	s0 =	sadd.s32 $0x201A00, s0;
	s30 =	smax.u32 s7, $0x1;
	[dreg:$0x13] =	wrdreg s23  }
0x1c: {  	s7 =	simm.s32 $0x19700;
	s24 =	simm.s32 $0x18980;
	[dreg:$0x1a] =	wrdreg s0  }
0x1d: {  	s25 =	simm.s32 $0x18A00;
	[dreg:$0x1b] =	wrdreg s30;
	s20 =	sadd.s32 s1, s10  }
0x1e: {  	s26 =	simm.s32 $0x18A80;
	s21 =	sadd.s32 s9, s10;
	[dreg:$0xf] =	wrdreg s20  }
0x1f: {  	s23 =	simm.s32 $0x18C00;
	s22 =	sor.u32 $0x40, s10;
	[dreg:$0x10] =	wrdreg s21  }
.Ltmp0:
0x20: {  	s10 =	sadd.s32 s1, s22;
	s6 =	sadd.s32 s9, s22;
	(pc) =	sbr.rel .LBB2_1-.Ltmp0, $4  }
0x21: {  	s1 =	sadd.s32 s5, s1;
	s9 =	simm.s32 $0x1A700;
	[dreg:$0x11] =	wrdreg s10  }
0x22: {  	s22 =	simm.s32 $0x1;
	s20 =	simm.s32 $0x18B80;
	[dreg:$0x12] =	wrdreg s6  }
0x23: {  	s21 =	simm.s32 $0x18C80;
	s5 =	simm.s32 $0x0;
	[dreg:$0x14] =	wrdreg s1  }
0x24: {  	v0 =	vimm.f32 $0.0e+00;
	s1 =	simm.s32 $0x80;
	s6 =	simm.s32 $0x18F00;
	s10 =	simm.s32 $0x18B00  }
.LBB2_9:
0x25: {  	s0 =	stileid.u32;
	[bflag:$0x0] =	sbarrier.arrive $0xFFFF  }
0x26: {  	s0 =	sshll.u32 s0, $0x6;
	s13 =	rddreg [dreg:$0x4]  }
0x27: {  	s28 =	rddreg [dreg:$0x1a];
	s0 =	sor.u32 $0x1C04, s0;
	s5 =	sshrl.u32 s13, $0x3  }
0x28: {  	[hbm:s28], [sflag:s0] =	dma.local [spmem:s5], $0x30E0  }
0x29: {  	_ =	swait.ge [sflag:s31], $0x30E0  }
0x2a: {  	s29 =	rddreg [dreg:$0x1c]  }
0x2b: {  	s30 =	rddreg [dreg:$0x1b];
	s5 =	sadd.s32 $0x1, s29  }
0x2c: {  	p0 =	sne.s32 s5, s30  }
.Ltmp1:
0x2d: {  	_ = 	snop;
	(pc) =	sbr.rel @!p0 .LBB2_10-.Ltmp1, $3  }
0x2e: {  	_ =	sdelay $0x1  }
0x2f: {  	[sflag:s31] =	ssyncset.done $0x0  }
0x30: {  	[sflag:s31] =	ssyncadd.s32 $0xFFFFCF20  }
.LBB2_1:
0x31: {  	[dreg:$0x1c] =	wrdreg s5;
	s0 =	simm.s32 $0x40;
	s5 =	simm.s32 $0x0  }
.LBB2_2:
0x32: {  	p0 =	sne.s32 s0, $0x6180;
	[tilespmem:s5+$0x1CF00] =	vst v0;
	s5 =	smov.u32 s0;
	s0 =	sadd.s32 $0x40, s0  }
.Ltmp2:
0x33: {  	(pc) =	sbr.rel @p0 .LBB2_2-.Ltmp2, $2  }
0x34: {  	_ =	sdelay $0x2  }
0x35: {  	s5 =	sshra.s32 s5, $0x2  }
0x36: {  	[tilespmem:s5+$0x1CF00] =	vst v0;
	s5 =	simm.s32 $0x1CF00  }
0x37: {  	[spmem:s13] =	stream.linear.scatter [tilespmem:s5], [sflag:$0x4], $0x1870, $0x38;
	[tilespmem:$0x1E770] =	vst v63  }
0x38: {  	_ =	swait.ge [sflag:s31], $0x1870  }
0x39: {  	[sflag:s31] =	ssyncset.done $0x0  }
0x3a: {  	s0 =	rddreg [dreg:$0x5];
	[sflag:s31] =	ssyncadd.s32 $0xFFFFE790  }
0x3b: {  	[spmem:s0] =	stream.linear.scatter [tilespmem:s5], [sflag:$0x4], $0x1870, $0x38;
	[tilespmem:$0x1E770] =	vst v63  }
0x3c: {  	_ =	swait.ge [sflag:s31], $0x1870  }
0x3d: {  	[sflag:s31] =	ssyncset.done $0x0  }
0x3e: {  	s30 =	rddreg [dreg:$0x6];
	[sflag:s31] =	ssyncadd.s32 $0xFFFFE790  }
0x3f: {  	[spmem:s30] =	stream.linear.scatter [tilespmem:s5], [sflag:$0x4], $0x1870, $0x38;
	[tilespmem:$0x1E770] =	vst v63  }
0x40: {  	_ =	swait.ge [sflag:s31], $0x1870  }
0x41: {  	[sflag:s31] =	ssyncset.done $0x0  }
0x42: {  	s13 =	rddreg [dreg:$0x7];
	[sflag:s31] =	ssyncadd.s32 $0xFFFFE790  }
0x43: {  	[spmem:s13] =	stream.linear.scatter [tilespmem:s5], [sflag:$0x4], $0x1870, $0x38;
	[tilespmem:$0x1E770] =	vst v63  }
0x44: {  	_ =	swait.ge [sflag:s31], $0x1870  }
0x45: {  	[sflag:s31] =	ssyncset.done $0x0  }
0x46: {  	s30 =	rddreg [dreg:$0x8];
	[sflag:s31] =	ssyncadd.s32 $0xFFFFE790  }
0x47: {  	[spmem:s30] =	stream.linear.scatter [tilespmem:s5], [sflag:$0x4], $0x1870, $0x38;
	[tilespmem:$0x1E770] =	vst v63  }
0x48: {  	_ =	swait.ge [sflag:s31], $0x1870  }
0x49: {  	[sflag:s31] =	ssyncset.done $0x0  }
0x4a: {  	s13 =	rddreg [dreg:$0x9];
	[sflag:s31] =	ssyncadd.s32 $0xFFFFE790  }
0x4b: {  	[spmem:s13] =	stream.linear.scatter [tilespmem:s5], [sflag:$0x4], $0x1870, $0x38;
	[tilespmem:$0x1E770] =	vst v63  }
0x4c: {  	_ =	swait.ge [sflag:s31], $0x1870  }
0x4d: {  	[sflag:s31] =	ssyncset.done $0x0  }
0x4e: {  	s30 =	rddreg [dreg:$0xa];
	[sflag:s31] =	ssyncadd.s32 $0xFFFFE790  }
0x4f: {  	[spmem:s30] =	stream.linear.scatter [tilespmem:s5], [sflag:$0x4], $0x1870, $0x38;
	[tilespmem:$0x1E770] =	vst v63  }
0x50: {  	_ =	swait.ge [sflag:s31], $0x1870  }
0x51: {  	[sflag:s31] =	ssyncset.done $0x0  }
0x52: {  	s13 =	rddreg [dreg:$0xb];
	[sflag:s31] =	ssyncadd.s32 $0xFFFFE790  }
0x53: {  	[spmem:s13] =	stream.linear.scatter [tilespmem:s5], [sflag:$0x4], $0x1870, $0x38;
	[tilespmem:$0x1E770] =	vst v63  }
0x54: {  	_ =	swait.ge [sflag:s31], $0x1870  }
0x55: {  	[sflag:s31] =	ssyncset.done $0x0  }
0x56: {  	s30 =	rddreg [dreg:$0xc];
	[sflag:s31] =	ssyncadd.s32 $0xFFFFE790  }
0x57: {  	[spmem:s30] =	stream.linear.scatter [tilespmem:s5], [sflag:$0x4], $0x1870, $0x38;
	[tilespmem:$0x1E770] =	vst v63  }
0x58: {  	_ =	swait.ge [sflag:s31], $0x1870  }
0x59: {  	[sflag:s31] =	ssyncset.done $0x0  }
0x5a: {  	s13 =	rddreg [dreg:$0xd];
	[sflag:s31] =	ssyncadd.s32 $0xFFFFE790  }
0x5b: {  	[spmem:s13] =	stream.linear.scatter [tilespmem:s5], [sflag:$0x4], $0x1870, $0x38;
	[tilespmem:$0x1E770] =	vst v63  }
0x5c: {  	_ =	swait.ge [sflag:s31], $0x1870  }
0x5d: {  	[sflag:s31] =	ssyncset.done $0x0  }
0x5e: {  	s30 =	rddreg [dreg:$0xe];
	[sflag:s31] =	ssyncadd.s32 $0xFFFFE790  }
0x5f: {  	[spmem:s30] =	stream.linear.scatter [tilespmem:s5], [sflag:$0x4], $0x1870, $0x38;
	[tilespmem:$0x1E770] =	vst v63  }
0x60: {  	_ =	swait.ge [sflag:s31], $0x1870  }
0x61: {  	[sflag:s31] =	ssyncset.done $0x0  }
0x62: {  	s13 =	rddreg [dreg:$0x15];
	[sflag:s31] =	ssyncadd.s32 $0xFFFFE790  }
0x63: {  	[spmem:s13] =	stream.linear.scatter [tilespmem:s5], [sflag:$0x4], $0x1870, $0x38;
	[tilespmem:$0x1E770] =	vst v63  }
0x64: {  	_ =	swait.ge [sflag:s31], $0x1870  }
0x65: {  	[sflag:s31] =	ssyncset.done $0x0  }
0x66: {  	s30 =	rddreg [dreg:$0x16];
	[sflag:s31] =	ssyncadd.s32 $0xFFFFE790  }
0x67: {  	[spmem:s30] =	stream.linear.scatter [tilespmem:s5], [sflag:$0x4], $0x1870, $0x38;
	[tilespmem:$0x1E770] =	vst v63  }
0x68: {  	_ =	swait.ge [sflag:s31], $0x1870  }
0x69: {  	[sflag:s31] =	ssyncset.done $0x0  }
0x6a: {  	s13 =	rddreg [dreg:$0x17];
	[sflag:s31] =	ssyncadd.s32 $0xFFFFE790  }
0x6b: {  	[spmem:s13] =	stream.linear.scatter [tilespmem:s5], [sflag:$0x4], $0x1870, $0x38;
	[tilespmem:$0x1E770] =	vst v63  }
0x6c: {  	_ =	swait.ge [sflag:s31], $0x1870  }
0x6d: {  	[sflag:s31] =	ssyncset.done $0x0  }
0x6e: {  	s30 =	rddreg [dreg:$0x18];
	[sflag:s31] =	ssyncadd.s32 $0xFFFFE790  }
0x6f: {  	[spmem:s30] =	stream.linear.scatter [tilespmem:s5], [sflag:$0x4], $0x1870, $0x38;
	[tilespmem:$0x1E770] =	vst v63  }
0x70: {  	_ =	swait.ge [sflag:s31], $0x1870  }
0x71: {  	[sflag:s31] =	ssyncset.done $0x0  }
0x72: {  	s13 =	rddreg [dreg:$0x19];
	[sflag:s31] =	ssyncadd.s32 $0xFFFFE790  }
0x73: {  	[spmem:s13] =	stream.linear.scatter [tilespmem:s5], [sflag:$0x4], $0x1870, $0x38;
	[tilespmem:$0x1E770] =	vst v63  }
0x74: {  	_ =	swait.ge [sflag:s31], $0x1870  }
0x75: {  	[sflag:s31] =	ssyncset.done $0x0  }
0x76: {  	[sflag:s31] =	ssyncadd.s32 $0xFFFFE790  }
0x77: {  	[bflag:$0x0] =	sbarrier.arrive $0xFFFF  }
0x78: {  	s28 =	simm.s32 $0x0;
	s5 =	simm.s32 $0x18700;
	s30 =	rddreg [dreg:$0xf]  }
0x79: {  	[tilespmem:s5], [sflag:$0x4] =	stream.linear.gather [hbm4b:s30+s28], $0x200, $0x38;
	[tilespmem:$0x1E770] =	vst v63  }
0x7a: {  	_ =	swait.ge [sflag:s31], $0x200  }
0x7b: {  	[sflag:s31] =	ssyncset.done $0x0  }
0x7c: {  	s30 =	simm.s32 $0x18900;
	s13 =	rddreg [dreg:$0x10];
	[sflag:s31] =	ssyncadd.s32 $0xFFFFFE00  }
0x7d: {  	[tilespmem:s30], [sflag:$0x4] =	stream.linear.gather [hbm4b:s13+s28], $0x200, $0x38;
	[tilespmem:$0x1E770] =	vst v63  }
0x7e: {  	_ =	swait.ge [sflag:s31], $0x200  }
0x7f: {  	[sflag:s31] =	ssyncset.done $0x0  }
0x80: {  	[sflag:s31] =	ssyncadd.s32 $0xFFFFFE00  }
0x81: {  	[tilespmem:s6], [sflag:$0x2] =	stream.indirect.gather [hbm4b:s4+s1], $0x10, s5, s1, $0xb8;
	[tilespmem:$0x1E770] =	vst v63  }
0x82: {  	s5 =	simm.s32 $0x18780  }
0x83: {  	[tilespmem:s7], [sflag:$0x2] =	stream.indirect.gather [hbm4b:s4+s1], $0x10, s5, s1, $0xb8;
	[tilespmem:$0x1E770] =	vst v63  }
0x84: {  	s13 =	simm.s32 $0x18800  }
0x85: {  	[tilespmem:s8], [sflag:$0x2] =	stream.indirect.gather [hbm4b:s4+s1], $0x10, s13, s1, $0xb8;
	[tilespmem:$0x1E770] =	vst v63  }
0x86: {  	s30 =	simm.s32 $0x18880;
	s29 =	rddreg [dreg:$0x14]  }
0x87: {  	[tilespmem:s9], [sflag:$0x2] =	stream.indirect.gather [hbm4b:s4+s1], $0x10, s30, s1, $0xb8;
	[tilespmem:$0x1E770] =	vst v63  }
.Ltmp3:
0x88: {  	s5 =	rddreg [dreg:$0x11];
	(pc) =	sbr.rel .LBB2_4-.Ltmp3, $4  }
0x89: {  	s13 =	rddreg [dreg:$0x12]  }
0x8a: {  	[tilespmem:s10], [sflag:$0x1] =	stream.linear.gather [hbm4b:s5+s28], $0x200, $0x38;
	[tilespmem:$0x1E770] =	vst v63  }
0x8b: {  	s30 =	simm.s32 $0x18D00;
	s5 =	rddreg [dreg:$0x13]  }
0x8c: {  	[tilespmem:s30], [sflag:$0x1] =	stream.linear.gather [hbm4b:s13+s28], $0x200, $0x38;
	[tilespmem:$0x1E770] =	vst v63  }
.LBB2_7:
0x8d: {  	[tilespmem:s30], [sflag:$0x1] =	stream.linear.gather [hbm4b:s29+s3], $0x200, $0x38;
	[tilespmem:$0x1E770] =	vst v63  }
0x8e: {  	_ = 	snop  }
0x8f: {  	[tilespmem:s0], [sflag:$0x1] =	stream.linear.gather [hbm4b:s5+s3], $0x200, $0x38;
	[tilespmem:$0x1E770] =	vst v63  }
.LBB2_8:
0x90: {  	s28 =	sadd.s32 $0x1, s28  }
0x91: {  	p0 =	sne.s32 s28, $0xDC  }
.Ltmp4:
0x92: {  	_ = 	snop;
	(pc) =	sbr.rel @!p0 .LBB2_9-.Ltmp4, $2  }
0x93: {  	_ =	sdelay $0x2  }
0x94: {  	s5 =	sadd.s32 $0x40, s5;
	s29 =	sadd.s32 $0x40, s29  }
.LBB2_4:
0x95: {  	_ =	swait.ge [sflag:s11], $0x800  }
0x96: {  	[sflag:s11] =	ssyncset.done $0x0  }
0x97: {  	[sflag:s11] =	ssyncadd.s32 $0xFFFFF800  }
0x98: {  	_ =	swait.ge [sflag:s11], $0x800  }
0x99: {  	[sflag:s11] =	ssyncset.done $0x0  }
0x9a: {  	s0 =	sand.u32 $0x1, s28;
	[sflag:s11] =	ssyncadd.s32 $0xFFFFF800  }
0x9b: {  	p0 =	seq.s32 s0, $0x1;
	_ =	swait.ge [sflag:s11], $0x800  }
.Ltmp5:
0x9c: {  	[sflag:s11] =	ssyncset.done $0x0;
	(pc) =	sbr.rel @!p0 .LBB2_5-.Ltmp5, $4  }
0x9d: {  	[sflag:s11] =	ssyncadd.s32 $0xFFFFF800  }
0x9e: {  	_ =	swait.ge [sflag:s11], $0x800  }
0x9f: {  	[sflag:s11] =	ssyncset.done $0x0  }
0xa0: {  	[sflag:s11] =	ssyncadd.s32 $0xFFFFF800  }
0xa1: {  	p0 =	seq.s32 s28, $0xDB  }
0xa2: {  	s0 =	simm.s32 @!p0 $0x1  }
0xa3: {  	_ =	swait.ge @!p0 [sflag:s0], $0x200  }
0xa4: {  	[sflag:s0] =	ssyncset.done @!p0 $0x0  }
0xa5: {  	[sflag:s0] =	ssyncadd.s32 @!p0 $0xFFFFFE00  }
0xa6: {  	_ =	swait.ge @!p0 [sflag:s0], $0x200  }
0xa7: {  	s30 =	simm.s32 @!p0 $0x18700;
	[sflag:s0] =	ssyncset.done @!p0 $0x0  }
0xa8: {  	s13 =	simm.s32 @!p0 $0x18F00;
	[sflag:s0] =	ssyncadd.s32 @!p0 $0xFFFFFE00;
	s0 =	simm.s32 @!p0 $0x80  }
0xa9: {  	[tilespmem:s13], [sflag:$0x2] =	stream.indirect.gather @!p0 [hbm4b:s4+s0], $0x10, s30, s0, $0xb8;
	[tilespmem:$0x1E770] =	vst v63  }
0xaa: {  	s13 =	simm.s32 @!p0 $0x18780;
	s30 =	simm.s32 @!p0 $0x19700  }
0xab: {  	[tilespmem:s30], [sflag:$0x2] =	stream.indirect.gather @!p0 [hbm4b:s4+s0], $0x10, s13, s0, $0xb8;
	[tilespmem:$0x1E770] =	vst v63  }
0xac: {  	s13 =	simm.s32 @!p0 $0x18800;
	s30 =	simm.s32 @!p0 $0x19F00  }
0xad: {  	[tilespmem:s30], [sflag:$0x2] =	stream.indirect.gather @!p0 [hbm4b:s4+s0], $0x10, s13, s0, $0xb8;
	[tilespmem:$0x1E770] =	vst v63  }
0xae: {  	s13 =	simm.s32 @!p0 $0x18880;
	s30 =	simm.s32 @!p0 $0x1A700  }
0xaf: {  	[tilespmem:s30], [sflag:$0x2] =	stream.indirect.gather @!p0 [hbm4b:s4+s0], $0x10, s13, s0, $0xb8;
	[tilespmem:$0x1E770] =	vst v63  }
0xb0: {  	s0 =	simm.s32 $0x18D00  }
0xb1: {  	[spmem:s2] =	stream.indirect.scatter.add.f32 [tilespmem:s12], [sflag:$0x3], $0x10, s0, s1, $0xb8;
	[tilespmem:$0x1E770] =	vst v63  }
0xb2: {  	s13 =	simm.s32 $0x18D80  }
0xb3: {  	[spmem:s2] =	stream.indirect.scatter.add.f32 [tilespmem:s14], [sflag:$0x3], $0x10, s13, s1, $0xb8;
	[tilespmem:$0x1E770] =	vst v63  }
0xb4: {  	_ = 	snop  }
0xb5: {  	[spmem:s2] =	stream.indirect.scatter.add.f32 [tilespmem:s16], [sflag:$0x3], $0x10, s15, s1, $0xb8;
	[tilespmem:$0x1E770] =	vst v63  }
0xb6: {  	_ = 	snop  }
0xb7: {  	[spmem:s2] =	stream.indirect.scatter.add.f32 [tilespmem:s18], [sflag:$0x3], $0x10, s17, s1, $0xb8;
	[tilespmem:$0x1E770] =	vst v63  }
0xb8: {  	_ =	swait.ge [sflag:s19], $0x800  }
0xb9: {  	[sflag:s19] =	ssyncset.done $0x0  }
0xba: {  	[sflag:s19] =	ssyncadd.s32 $0xFFFFF800  }
0xbb: {  	_ =	swait.ge [sflag:s19], $0x800  }
0xbc: {  	[sflag:s19] =	ssyncset.done $0x0  }
0xbd: {  	[sflag:s19] =	ssyncadd.s32 $0xFFFFF800  }
0xbe: {  	p0 =	sgt.u32 s28, $0xD9;
	_ =	swait.ge [sflag:s19], $0x800  }
.Ltmp6:
0xbf: {  	[sflag:s19] =	ssyncset.done $0x0;
	(pc) =	sbr.rel @p0 .LBB2_8-.Ltmp6, $4  }
.Ltmp7:
0xc0: {  	[sflag:s19] =	ssyncadd.s32 $0xFFFFF800;
	(pc) =	sbr.rel @!p0 .LBB2_7-.Ltmp7, $4  }
0xc1: {  	_ =	swait.ge [sflag:s19], $0x800  }
0xc2: {  	[sflag:s19] =	ssyncset.done $0x0  }
0xc3: {  	s30 =	simm.s32 $0x18B00;
	[sflag:s19] =	ssyncadd.s32 $0xFFFFF800  }
0xc4: {  	_ = 	snop  }
.LBB2_5:
0xc5: {  	_ =	swait.ge [sflag:s22], $0x200  }
0xc6: {  	[sflag:s22] =	ssyncset.done $0x0  }
0xc7: {  	[sflag:s22] =	ssyncadd.s32 $0xFFFFFE00  }
0xc8: {  	_ =	swait.ge [sflag:s22], $0x200  }
0xc9: {  	[sflag:s22] =	ssyncset.done $0x0  }
0xca: {  	[sflag:s22] =	ssyncadd.s32 $0xFFFFFE00  }
0xcb: {  	[tilespmem:s12], [sflag:$0x2] =	stream.indirect.gather [hbm4b:s4+s1], $0x10, s10, s1, $0xb8;
	[tilespmem:$0x1E770] =	vst v63  }
0xcc: {  	_ = 	snop  }
0xcd: {  	[tilespmem:s14], [sflag:$0x2] =	stream.indirect.gather [hbm4b:s4+s1], $0x10, s20, s1, $0xb8;
	[tilespmem:$0x1E770] =	vst v63  }
0xce: {  	_ = 	snop  }
0xcf: {  	[tilespmem:s16], [sflag:$0x2] =	stream.indirect.gather [hbm4b:s4+s1], $0x10, s23, s1, $0xb8;
	[tilespmem:$0x1E770] =	vst v63  }
0xd0: {  	_ = 	snop  }
0xd1: {  	[tilespmem:s18], [sflag:$0x2] =	stream.indirect.gather [hbm4b:s4+s1], $0x10, s21, s1, $0xb8;
	[tilespmem:$0x1E770] =	vst v63  }
0xd2: {  	s0 =	simm.s32 $0x18900  }
0xd3: {  	[spmem:s2] =	stream.indirect.scatter.add.f32 [tilespmem:s6], [sflag:$0x3], $0x10, s0, s1, $0xb8;
	[tilespmem:$0x1E770] =	vst v63  }
0xd4: {  	_ = 	snop  }
0xd5: {  	[spmem:s2] =	stream.indirect.scatter.add.f32 [tilespmem:s7], [sflag:$0x3], $0x10, s24, s1, $0xb8;
	[tilespmem:$0x1E770] =	vst v63  }
0xd6: {  	_ = 	snop  }
0xd7: {  	[spmem:s2] =	stream.indirect.scatter.add.f32 [tilespmem:s8], [sflag:$0x3], $0x10, s25, s1, $0xb8;
	[tilespmem:$0x1E770] =	vst v63  }
0xd8: {  	_ = 	snop  }
0xd9: {  	[spmem:s2] =	stream.indirect.scatter.add.f32 [tilespmem:s9], [sflag:$0x3], $0x10, s26, s1, $0xb8;
	[tilespmem:$0x1E770] =	vst v63  }
0xda: {  	_ =	swait.ge [sflag:s19], $0x800  }
0xdb: {  	[sflag:s19] =	ssyncset.done $0x0  }
0xdc: {  	[sflag:s19] =	ssyncadd.s32 $0xFFFFF800  }
0xdd: {  	_ =	swait.ge [sflag:s19], $0x800  }
0xde: {  	[sflag:s19] =	ssyncset.done $0x0  }
0xdf: {  	[sflag:s19] =	ssyncadd.s32 $0xFFFFF800  }
0xe0: {  	p0 =	slt.u32 s28, $0xDA;
	_ =	swait.ge [sflag:s19], $0x800  }
.Ltmp8:
0xe1: {  	[sflag:s19] =	ssyncset.done $0x0;
	(pc) =	sbr.rel @p0 .LBB2_7-.Ltmp8, $4  }
.Ltmp9:
0xe2: {  	[sflag:s19] =	ssyncadd.s32 $0xFFFFF800;
	(pc) =	sbr.rel @!p0 .LBB2_8-.Ltmp9, $4  }
0xe3: {  	_ =	swait.ge [sflag:s19], $0x800  }
0xe4: {  	[sflag:s19] =	ssyncset.done $0x0  }
0xe5: {  	s30 =	simm.s32 $0x18700;
	[sflag:s19] =	ssyncadd.s32 $0xFFFFF800  }
0xe6: {  	_ = 	snop  }
.LBB2_10:
0xe7: {  	_ =	sfence.sel $0x180000  }
0xe8: {  	[bflag:$0x0] =	sbarrier.arrive $0xFFFF  }
0xe9: {  	_ =	strace $0x90000047  }
0xea: {  	s0 =	stileid.u32;
	[bflag:$0x2] =	sbarrier.arrive $0xFFFF  }
0xeb: {  	p0 =	sne.s32 s0, $0x0;
	s0 =	rddreg [dreg:$0x3]  }
0xec: {  	s0 =	sadd.s32 @!p0 $0x100000, s0  }
0xed: {  	[sflag:s0] =	ssyncadd.tile.s32 @!p0 $0x1;
	_ =	shalt  }
.Lfunc_end2:
_tile_overlayer_lowered:
.L_overlay_start_2:
0xee: {  	(tag) =	ssettag $0x2  }
0xef: {  	s0 =	rddreg [dreg:$0x0];
	s2 =	stileid.u32  }
0xf0: {  	s1 =	rddreg [dreg:$0x1];
	p0 =	sne.s32 s2, $0x0  }
0xf1: {  	s3 =	rddreg [dreg:$0x2];
	[bflag:$0x3] =	sbarrier.arrive $0xFFFF;
	s2 =	simm.s32 @!p0 $0x1C04  }
0xf2: {  	[timem:s3], [sflag:s2] =	dma.local @!p0 [hbm:s0], s1  }
0xf3: {  	s0 =	simm.s32 @!p0 $0x4  }
0xf4: {  	_ =	swait.ge @!p0 [sflag:s0], s1  }
0xf5: {  	s1 =	ssub.s32 @!p0 $0x0, s1;
	[sflag:s0] =	ssyncset.done @!p0 $0x0  }
0xf6: {  	[sflag:s0] =	ssyncadd.s32 @!p0 s1  }
0xf7: {  	[bflag:$0x3] =	sbarrier.arrive $0xFFFF  }
0xf8: {  	_ =	shalt  }

</sc_bundles>
